<compile_context>
chip_gen: v7x
topology: tpu7x:2x2x1
jax: 0.10.2.dev20260603
libtpu: 0.0.44.dev20260713+nightly
codegen_flags: <defaults>
</compile_context>

<pallas_src>
import functools

import jax
import jax.numpy as jnp
from jax import lax
from jax.experimental import pallas as pl
from jax.experimental.pallas import tpu as pltpu
from jax.experimental.pallas import tpu_sc as plsc

EMBED_DIM = 128
BATCH = 4
SEQ = 2048
SIDE_TOKENS = BATCH * SEQ
NC, NS, L = 2, 16, 16
NW = NC * NS
CHUNK = 128
PER_SIDE = SIDE_TOKENS // NW
CHUNKS_PER_SIDE = PER_SIDE // CHUNK
N_CHUNKS = 2 * CHUNKS_PER_SIDE
W_PER_ROW = SEQ // PER_SIDE
ROWS_UNROLL = 2


@functools.partial(
    pl.kernel,
    out_type=(
        jax.ShapeDtypeStruct((SIDE_TOKENS, EMBED_DIM), jnp.float32),
        jax.ShapeDtypeStruct((SIDE_TOKENS, EMBED_DIM), jnp.float32),
    ),
    mesh=plsc.VectorSubcoreMesh(core_axis_name="c", subcore_axis_name="s"),
    scratch_types=[
        pltpu.VMEM((N_CHUNKS * CHUNK,), jnp.int32),
        pltpu.VMEM((N_CHUNKS * CHUNK, EMBED_DIM), jnp.float32),
        pltpu.VMEM((2, L), jnp.float32),
        pltpu.SemaphoreType.DMA,
        pltpu.SemaphoreType.DMA,
        pltpu.SemaphoreType.DMA,
        pltpu.SemaphoreType.DMA,
        pltpu.SemaphoreType.DMA,
        pltpu.SemaphoreType.DMA,
        pltpu.SemaphoreType.DMA,
        pltpu.SemaphoreType.DMA,
    ],
)
def _embed_kernel(enc_ids, dec_ids, scales, table,
                  enc_out, dec_out,
                  idx_v, rows_v, scale_v, g0, g1, g2, g3, osem, i0, i1, ssem):
    wid = lax.axis_index("s") * NC + lax.axis_index("c")
    b = wid // W_PER_ROW
    col = (wid % W_PER_ROW) * PER_SIDE

    gsems = [g0, g1, g2, g3]
    isems = [i0, i1]
    id_copies = [
        pltpu.async_copy(ids.at[b, pl.ds(col, PER_SIDE)],
                         idx_v.at[pl.ds(side * PER_SIDE, PER_SIDE)], isems[side])
        for side, ids in enumerate((enc_ids, dec_ids))
    ]
    s_copy = pltpu.async_copy(scales, scale_v, ssem)
    gathers = []
    for side in range(2):
        id_copies[side].wait()
        for jj in range(CHUNKS_PER_SIDE):
            j = side * CHUNKS_PER_SIDE + jj
            gathers.append(
                pltpu.async_copy(table.at[idx_v.at[pl.ds(j * CHUNK, CHUNK)]],
                                 rows_v.at[pl.ds(j * CHUNK, CHUNK)], gsems[j])
            )
    s_copy.wait()

    writes = []
    for j in range(N_CHUNKS):
        gathers[j].wait()
        side = j // CHUNKS_PER_SIDE
        s = scale_v[side, :]
        base = j * CHUNK

        def scale_rows(i, carry, base=base, s=s):
            row = base + i * ROWS_UNROLL
            for r in range(ROWS_UNROLL):
                for cs in range(EMBED_DIM // L):
                    sl = pl.ds(cs * L, L)
                    rows_v[row + r, sl] = rows_v[row + r, sl] * s
            return carry

        lax.fori_loop(0, CHUNK // ROWS_UNROLL, scale_rows, 0)

        if j % CHUNKS_PER_SIDE == CHUNKS_PER_SIDE - 1:
            dst = enc_out if side == 0 else dec_out
            writes.append(
                pltpu.async_copy(rows_v.at[pl.ds(side * PER_SIDE, PER_SIDE)],
                                 dst.at[pl.ds(wid * PER_SIDE, PER_SIDE)], osem)
            )
    for w in writes:
        w.wait()


def kernel(input_ids, encoder_embed_scale, decoder_input_ids, decoder_embed_scale, table):
    batch, enc_len = input_ids.shape
    dec_len = decoder_input_ids.shape[1]
    scales = jnp.broadcast_to(
        jnp.stack([encoder_embed_scale, decoder_embed_scale]).astype(jnp.float32)[:, None],
        (2, L),
    )
    enc, dec = _embed_kernel(input_ids.astype(jnp.int32),
                             decoder_input_ids.astype(jnp.int32),
                             scales, table)
    return (enc.reshape(batch, enc_len, EMBED_DIM),
            dec.reshape(batch, dec_len, EMBED_DIM))

# --- scband reference (transcript-rebuilt; emitter-appended) ---
"""Pipeline reference for scband-shared-embedding-15290083574256 (READ-ONLY COPY).

The authoritative reference and input builder live on the scoring server;
editing this copy changes nothing except your own understanding.
"""

import jax, jax.numpy as jnp
import numpy as np

NUM_EMBEDDINGS = 100000
EMBED_DIM = 128
BATCH = 4
ENC_LEN = 2048
DEC_LEN = 2048


def setup_inputs(seed: int = 0) -> dict:
    key = jax.random.key(seed)
    k1, k2, k3 = jax.random.split(key, 3)
    input_ids = jax.random.randint(k1, (BATCH, ENC_LEN), 0, NUM_EMBEDDINGS, dtype=jnp.int64 if jax.config.jax_enable_x64 else jnp.int32)
    decoder_input_ids = jax.random.randint(k2, (BATCH, DEC_LEN), 0, NUM_EMBEDDINGS, dtype=jnp.int64 if jax.config.jax_enable_x64 else jnp.int32)
    table = jax.random.normal(k3, (NUM_EMBEDDINGS, EMBED_DIM), dtype=jnp.float32) * 0.02
    encoder_embed_scale = jnp.asarray(np.sqrt(EMBED_DIM), dtype=jnp.float32)
    decoder_embed_scale = jnp.asarray(np.sqrt(EMBED_DIM), dtype=jnp.float32)
    return {
        "input_ids": input_ids,
        "encoder_embed_scale": encoder_embed_scale,
        "decoder_input_ids": decoder_input_ids,
        "decoder_embed_scale": decoder_embed_scale,
        "table": table,
    }


def reference(input_ids, encoder_embed_scale, decoder_input_ids, decoder_embed_scale, table):
    # _combine_inputs: concat encoder and decoder token ids along seq dim
    idx = input_ids.shape[1]
    combined = jnp.concatenate([input_ids, decoder_input_ids], axis=1)
    # shared embedding lookup (gather)
    embeds = jnp.take(table, combined, axis=0)
    # _separate_inputs: split back into encoder / decoder embeds
    encoder_inputs_embeds = embeds[:, :idx, :]
    decoder_inputs_embeds = embeds[:, idx:, :]
    encoder_inputs_embeds = encoder_inputs_embeds * encoder_embed_scale
    decoder_inputs_embeds = decoder_inputs_embeds * decoder_embed_scale
    return (encoder_inputs_embeds, decoder_inputs_embeds)

if __name__ == "__main__":
    import jax
    _d = setup_inputs()
    print(jax.jit(kernel)(*tuple(_d.values())))

</pallas_src>

<mosaic_0001>
#map = affine_map<(d0, d1) -> (0, 0)>
module attributes {stable_mosaic.version = 14 : i64} {
  func.func @_embed_kernel(%arg0: i32, %arg1: i32, %arg2: memref<4x2048xi32, #tpu.memory_space<hbm>>, %arg3: memref<4x2048xi32, #tpu.memory_space<hbm>>, %arg4: memref<2x16xf32, #tpu.memory_space<hbm>>, %arg5: memref<100000x128xf32, #tpu.memory_space<hbm>>, %arg6: memref<8192x128xf32, #tpu.memory_space<hbm>>, %arg7: memref<8192x128xf32, #tpu.memory_space<hbm>>, %arg8: memref<512xi32, #tpu.memory_space<vmem>>, %arg9: memref<512x128xf32, #tpu.memory_space<vmem>>, %arg10: memref<2x16xf32, #tpu.memory_space<vmem>>, %arg11: memref<!tpu.dma_semaphore, #tpu.memory_space<semaphore_mem>>, %arg12: memref<!tpu.dma_semaphore, #tpu.memory_space<semaphore_mem>>, %arg13: memref<!tpu.dma_semaphore, #tpu.memory_space<semaphore_mem>>, %arg14: memref<!tpu.dma_semaphore, #tpu.memory_space<semaphore_mem>>, %arg15: memref<!tpu.dma_semaphore, #tpu.memory_space<semaphore_mem>>, %arg16: memref<!tpu.dma_semaphore, #tpu.memory_space<semaphore_mem>>, %arg17: memref<!tpu.dma_semaphore, #tpu.memory_space<semaphore_mem>>, %arg18: memref<!tpu.dma_semaphore, #tpu.memory_space<semaphore_mem>>) attributes {dimension_semantics = [#tpu.dimension_semantics<core_parallel>, #tpu.dimension_semantics<subcore_parallel>], iteration_bounds = array<i64: 2, 16>, scalar_prefetch = 0 : i64, scratch_operands = 11 : i64, tpu.core_type = #tpu.core_type<sc_vector_subcore>, window_params = [{transform_indices = #map}, {transform_indices = #map}, {transform_indices = #map}, {transform_indices = #map}, {transform_indices = #map}, {transform_indices = #map}]} {
    %mul3A = arith.constant 2 : i32
    %mul3A_0 = arith.muli %arg1, %mul3A : i32
    %add3A = arith.addi %mul3A_0, %arg0 : i32
    %jit3A = arith.constant 8 : i32
    %div3A = arith.divsi %add3A, %jit3A : i32
    %sign3A = arith.constant 0 : i32
    %sign3A_1 = arith.cmpi sgt, %add3A, %sign3A : i32
    %sign3A_2 = arith.extui %sign3A_1 : i1 to i32
    %sign3A_3 = arith.constant 0 : i32
    %sign3A_4 = arith.cmpi slt, %add3A, %sign3A_3 : i32
    %sign3A_5 = arith.extui %sign3A_4 : i1 to i32
    %sign3A_6 = arith.subi %sign3A_2, %sign3A_5 : i32
    %sign3A_7 = arith.constant 0 : i32
    %sign3A_8 = arith.cmpi sgt, %jit3A, %sign3A_7 : i32
    %sign3A_9 = arith.extui %sign3A_8 : i1 to i32
    %sign3A_10 = arith.constant 0 : i32
    %sign3A_11 = arith.cmpi slt, %jit3A, %sign3A_10 : i32
    %sign3A_12 = arith.extui %sign3A_11 : i1 to i32
    %sign3A_13 = arith.subi %sign3A_9, %sign3A_12 : i32
    %ne3A = arith.cmpi ne, %sign3A_6, %sign3A_13 : i32
    %rem3A = arith.remsi %add3A, %jit3A : i32
    %ne3A_14 = arith.constant 0 : i32
    %ne3A_15 = arith.cmpi ne, %rem3A, %ne3A_14 : i32
    %and3A = arith.andi %ne3A, %ne3A_15 : i1
    %sub3A = arith.constant 1 : i32
    %sub3A_16 = arith.subi %div3A, %sub3A : i32
    %select_n3A = arith.select %and3A, %sub3A_16, %div3A : i32
    %jit3A_17 = arith.constant 8 : i32
    %eq3A = arith.constant 0 : i32
    %eq3A_18 = arith.cmpi eq, %jit3A_17, %eq3A : i32
    %jit3A_19 = arith.constant 1 : i32
    %select_n3A_20 = arith.select %eq3A_18, %jit3A_19, %jit3A_17 : i32
    %rem3A_21 = arith.remsi %add3A, %select_n3A_20 : i32
    %ne3A_22 = arith.constant 0 : i32
    %ne3A_23 = arith.cmpi ne, %rem3A_21, %ne3A_22 : i32
    %lt3A = arith.constant 0 : i32
    %lt3A_24 = arith.cmpi slt, %rem3A_21, %lt3A : i32
    %lt3A_25 = arith.constant 0 : i32
    %lt3A_26 = arith.cmpi slt, %select_n3A_20, %lt3A_25 : i32
    %ne3A_27 = arith.xori %lt3A_24, %lt3A_26 : i1
    %and3A_28 = arith.andi %ne3A_27, %ne3A_23 : i1
    %add3A_29 = arith.addi %rem3A_21, %select_n3A_20 : i32
    %select_n3A_30 = arith.select %and3A_28, %add3A_29, %rem3A_21 : i32
    %mul3A_31 = arith.constant 256 : i32
    %mul3A_32 = arith.muli %select_n3A_30, %mul3A_31 : i32
    %dma_start3A = arith.constant 0 : i32
    %dma_start3A_33 = tpu.memref_slice %arg8[%dma_start3A] : memref<512xi32, #tpu.memory_space<vmem>> -> memref<256xi32, #tpu.memory_space<vmem>>
    %dma_start3A_34 = tpu.memref_slice %arg2[%select_n3A, %mul3A_32] : memref<4x2048xi32, #tpu.memory_space<hbm>> -> memref<1x256xi32, #tpu.memory_space<hbm>>
    %dma_start3A_35 = tpu.memref_squeeze %dma_start3A_34 : memref<1x256xi32, #tpu.memory_space<hbm>> -> memref<256xi32, #tpu.memory_space<hbm>>
    %dma_start3A_36 = arith.constant 0 : i32
    %dma_start3A_37 = tpu.memref_slice %arg8[%dma_start3A_36] : memref<512xi32, #tpu.memory_space<vmem>> -> memref<256xi32, #tpu.memory_space<vmem>>
    %dma_start3A_38 = tpu.memref_slice %arg2[%select_n3A, %mul3A_32] : memref<4x2048xi32, #tpu.memory_space<hbm>> -> memref<1x256xi32, #tpu.memory_space<hbm>>
    %dma_start3A_39 = tpu.memref_squeeze %dma_start3A_38 : memref<1x256xi32, #tpu.memory_space<hbm>> -> memref<256xi32, #tpu.memory_space<hbm>>
    tpu.enqueue_dma source(%dma_start3A_39 : memref<256xi32, #tpu.memory_space<hbm>>) target(%dma_start3A_37 : memref<256xi32, #tpu.memory_space<vmem>>) target_semaphore(%arg16 : memref<!tpu.dma_semaphore, #tpu.memory_space<semaphore_mem>>)
    %dma_start3A_40 = arith.constant 256 : i32
    %dma_start3A_41 = tpu.memref_slice %arg8[%dma_start3A_40] : memref<512xi32, #tpu.memory_space<vmem>> -> memref<256xi32, #tpu.memory_space<vmem>>
    %dma_start3A_42 = tpu.memref_slice %arg3[%select_n3A, %mul3A_32] : memref<4x2048xi32, #tpu.memory_space<hbm>> -> memref<1x256xi32, #tpu.memory_space<hbm>>
    %dma_start3A_43 = tpu.memref_squeeze %dma_start3A_42 : memref<1x256xi32, #tpu.memory_space<hbm>> -> memref<256xi32, #tpu.memory_space<hbm>>
    %dma_start3A_44 = arith.constant 256 : i32
    %dma_start3A_45 = tpu.memref_slice %arg8[%dma_start3A_44] : memref<512xi32, #tpu.memory_space<vmem>> -> memref<256xi32, #tpu.memory_space<vmem>>
    %dma_start3A_46 = tpu.memref_slice %arg3[%select_n3A, %mul3A_32] : memref<4x2048xi32, #tpu.memory_space<hbm>> -> memref<1x256xi32, #tpu.memory_space<hbm>>
    %dma_start3A_47 = tpu.memref_squeeze %dma_start3A_46 : memref<1x256xi32, #tpu.memory_space<hbm>> -> memref<256xi32, #tpu.memory_space<hbm>>
    tpu.enqueue_dma source(%dma_start3A_47 : memref<256xi32, #tpu.memory_space<hbm>>) target(%dma_start3A_45 : memref<256xi32, #tpu.memory_space<vmem>>) target_semaphore(%arg17 : memref<!tpu.dma_semaphore, #tpu.memory_space<semaphore_mem>>)
    tpu.enqueue_dma source(%arg4 : memref<2x16xf32, #tpu.memory_space<hbm>>) target(%arg10 : memref<2x16xf32, #tpu.memory_space<vmem>>) target_semaphore(%arg18 : memref<!tpu.dma_semaphore, #tpu.memory_space<semaphore_mem>>)
    %dma_wait3A = arith.constant 0 : i32
    %dma_wait3A_48 = tpu.memref_slice %arg8[%dma_wait3A] : memref<512xi32, #tpu.memory_space<vmem>> -> memref<256xi32, #tpu.memory_space<vmem>>
    %dma_wait3A_49 = tpu.memref_slice %arg2[%select_n3A, %mul3A_32] : memref<4x2048xi32, #tpu.memory_space<hbm>> -> memref<1x256xi32, #tpu.memory_space<hbm>>
    %dma_wait3A_50 = tpu.memref_squeeze %dma_wait3A_49 : memref<1x256xi32, #tpu.memory_space<hbm>> -> memref<256xi32, #tpu.memory_space<hbm>>
    %dma_wait3A_51 = arith.constant 0 : i32
    %dma_wait3A_52 = tpu.memref_slice %arg8[%dma_wait3A_51] : memref<512xi32, #tpu.memory_space<vmem>> -> memref<256xi32, #tpu.memory_space<vmem>>
    %dma_wait3A_53 = tpu.memref_slice %arg2[%select_n3A, %mul3A_32] : memref<4x2048xi32, #tpu.memory_space<hbm>> -> memref<1x256xi32, #tpu.memory_space<hbm>>
    %dma_wait3A_54 = tpu.memref_squeeze %dma_wait3A_53 : memref<1x256xi32, #tpu.memory_space<hbm>> -> memref<256xi32, #tpu.memory_space<hbm>>
    tpu.wait_dma2 semaphore(%arg16 : memref<!tpu.dma_semaphore, #tpu.memory_space<semaphore_mem>>) src(%dma_wait3A_54 : memref<256xi32, #tpu.memory_space<hbm>>) dst(%dma_wait3A_52 : memref<256xi32, #tpu.memory_space<vmem>>)
    %dma_start3A_55 = arith.constant 0 : i32
    %dma_start3A_56 = arith.constant 0 : i32
    %dma_start3A_57 = tpu.memref_slice %arg9[%dma_start3A_55, %dma_start3A_56] : memref<512x128xf32, #tpu.memory_space<vmem>> -> memref<128x128xf32, #tpu.memory_space<vmem>>
    %dma_start3A_58 = arith.constant 0 : i32
    %dma_start3A_59 = tpu.memref_slice %arg8[%dma_start3A_58] : memref<512xi32, #tpu.memory_space<vmem>> -> memref<128xi32, #tpu.memory_space<vmem>>
    %dma_start3A_60 = arith.constant 0 : i32
    %dma_start3A_61 = arith.constant 0 : i32
    %dma_start3A_62 = tpu.memref_slice %arg5[%dma_start3A_60, %dma_start3A_61] : memref<100000x128xf32, #tpu.memory_space<hbm>> -> memref<100000x128xf32, #tpu.memory_space<hbm>>
    tpu.enqueue_indirect_dma source(%dma_start3A_62 : memref<100000x128xf32, #tpu.memory_space<hbm>>) target(%dma_start3A_57 : memref<128x128xf32, #tpu.memory_space<vmem>>) offsets(%dma_start3A_59 : memref<128xi32, #tpu.memory_space<vmem>>) semaphore(%arg11 : memref<!tpu.dma_semaphore, #tpu.memory_space<semaphore_mem>>)
    %dma_start3A_63 = arith.constant 128 : i32
    %dma_start3A_64 = arith.constant 0 : i32
    %dma_start3A_65 = tpu.memref_slice %arg9[%dma_start3A_63, %dma_start3A_64] : memref<512x128xf32, #tpu.memory_space<vmem>> -> memref<128x128xf32, #tpu.memory_space<vmem>>
    %dma_start3A_66 = arith.constant 128 : i32
    %dma_start3A_67 = tpu.memref_slice %arg8[%dma_start3A_66] : memref<512xi32, #tpu.memory_space<vmem>> -> memref<128xi32, #tpu.memory_space<vmem>>
    %dma_start3A_68 = arith.constant 0 : i32
    %dma_start3A_69 = arith.constant 0 : i32
    %dma_start3A_70 = tpu.memref_slice %arg5[%dma_start3A_68, %dma_start3A_69] : memref<100000x128xf32, #tpu.memory_space<hbm>> -> memref<100000x128xf32, #tpu.memory_space<hbm>>
    tpu.enqueue_indirect_dma source(%dma_start3A_70 : memref<100000x128xf32, #tpu.memory_space<hbm>>) target(%dma_start3A_65 : memref<128x128xf32, #tpu.memory_space<vmem>>) offsets(%dma_start3A_67 : memref<128xi32, #tpu.memory_space<vmem>>) semaphore(%arg12 : memref<!tpu.dma_semaphore, #tpu.memory_space<semaphore_mem>>)
    %dma_wait3A_71 = arith.constant 256 : i32
    %dma_wait3A_72 = tpu.memref_slice %arg8[%dma_wait3A_71] : memref<512xi32, #tpu.memory_space<vmem>> -> memref<256xi32, #tpu.memory_space<vmem>>
    %dma_wait3A_73 = tpu.memref_slice %arg3[%select_n3A, %mul3A_32] : memref<4x2048xi32, #tpu.memory_space<hbm>> -> memref<1x256xi32, #tpu.memory_space<hbm>>
    %dma_wait3A_74 = tpu.memref_squeeze %dma_wait3A_73 : memref<1x256xi32, #tpu.memory_space<hbm>> -> memref<256xi32, #tpu.memory_space<hbm>>
    %dma_wait3A_75 = arith.constant 256 : i32
    %dma_wait3A_76 = tpu.memref_slice %arg8[%dma_wait3A_75] : memref<512xi32, #tpu.memory_space<vmem>> -> memref<256xi32, #tpu.memory_space<vmem>>
    %dma_wait3A_77 = tpu.memref_slice %arg3[%select_n3A, %mul3A_32] : memref<4x2048xi32, #tpu.memory_space<hbm>> -> memref<1x256xi32, #tpu.memory_space<hbm>>
    %dma_wait3A_78 = tpu.memref_squeeze %dma_wait3A_77 : memref<1x256xi32, #tpu.memory_space<hbm>> -> memref<256xi32, #tpu.memory_space<hbm>>
    tpu.wait_dma2 semaphore(%arg17 : memref<!tpu.dma_semaphore, #tpu.memory_space<semaphore_mem>>) src(%dma_wait3A_78 : memref<256xi32, #tpu.memory_space<hbm>>) dst(%dma_wait3A_76 : memref<256xi32, #tpu.memory_space<vmem>>)
    %dma_start3A_79 = arith.constant 256 : i32
    %dma_start3A_80 = arith.constant 0 : i32
    %dma_start3A_81 = tpu.memref_slice %arg9[%dma_start3A_79, %dma_start3A_80] : memref<512x128xf32, #tpu.memory_space<vmem>> -> memref<128x128xf32, #tpu.memory_space<vmem>>
    %dma_start3A_82 = arith.constant 256 : i32
    %dma_start3A_83 = tpu.memref_slice %arg8[%dma_start3A_82] : memref<512xi32, #tpu.memory_space<vmem>> -> memref<128xi32, #tpu.memory_space<vmem>>
    %dma_start3A_84 = arith.constant 0 : i32
    %dma_start3A_85 = arith.constant 0 : i32
    %dma_start3A_86 = tpu.memref_slice %arg5[%dma_start3A_84, %dma_start3A_85] : memref<100000x128xf32, #tpu.memory_space<hbm>> -> memref<100000x128xf32, #tpu.memory_space<hbm>>
    tpu.enqueue_indirect_dma source(%dma_start3A_86 : memref<100000x128xf32, #tpu.memory_space<hbm>>) target(%dma_start3A_81 : memref<128x128xf32, #tpu.memory_space<vmem>>) offsets(%dma_start3A_83 : memref<128xi32, #tpu.memory_space<vmem>>) semaphore(%arg13 : memref<!tpu.dma_semaphore, #tpu.memory_space<semaphore_mem>>)
    %dma_start3A_87 = arith.constant 384 : i32
    %dma_start3A_88 = arith.constant 0 : i32
    %dma_start3A_89 = tpu.memref_slice %arg9[%dma_start3A_87, %dma_start3A_88] : memref<512x128xf32, #tpu.memory_space<vmem>> -> memref<128x128xf32, #tpu.memory_space<vmem>>
    %dma_start3A_90 = arith.constant 384 : i32
    %dma_start3A_91 = tpu.memref_slice %arg8[%dma_start3A_90] : memref<512xi32, #tpu.memory_space<vmem>> -> memref<128xi32, #tpu.memory_space<vmem>>
    %dma_start3A_92 = arith.constant 0 : i32
    %dma_start3A_93 = arith.constant 0 : i32
    %dma_start3A_94 = tpu.memref_slice %arg5[%dma_start3A_92, %dma_start3A_93] : memref<100000x128xf32, #tpu.memory_space<hbm>> -> memref<100000x128xf32, #tpu.memory_space<hbm>>
    tpu.enqueue_indirect_dma source(%dma_start3A_94 : memref<100000x128xf32, #tpu.memory_space<hbm>>) target(%dma_start3A_89 : memref<128x128xf32, #tpu.memory_space<vmem>>) offsets(%dma_start3A_91 : memref<128xi32, #tpu.memory_space<vmem>>) semaphore(%arg14 : memref<!tpu.dma_semaphore, #tpu.memory_space<semaphore_mem>>)
    tpu.wait_dma2 semaphore(%arg18 : memref<!tpu.dma_semaphore, #tpu.memory_space<semaphore_mem>>) src(%arg4 : memref<2x16xf32, #tpu.memory_space<hbm>>) dst(%arg10 : memref<2x16xf32, #tpu.memory_space<vmem>>)
    %dma_wait3A_95 = arith.constant 0 : i32
    %dma_wait3A_96 = arith.constant 0 : i32
    %dma_wait3A_97 = tpu.memref_slice %arg9[%dma_wait3A_95, %dma_wait3A_96] : memref<512x128xf32, #tpu.memory_space<vmem>> -> memref<128x128xf32, #tpu.memory_space<vmem>>
    %dma_wait3A_98 = arith.constant 0 : i32
    %dma_wait3A_99 = tpu.memref_slice %arg8[%dma_wait3A_98] : memref<512xi32, #tpu.memory_space<vmem>> -> memref<128xi32, #tpu.memory_space<vmem>>
    %dma_wait3A_100 = arith.constant 0 : i32
    %dma_wait3A_101 = arith.constant 0 : i32
    %dma_wait3A_102 = tpu.memref_slice %arg5[%dma_wait3A_100, %dma_wait3A_101] : memref<100000x128xf32, #tpu.memory_space<hbm>> -> memref<100000x128xf32, #tpu.memory_space<hbm>>
    tpu.wait_indirect_dma semaphore(%arg11 : memref<!tpu.dma_semaphore, #tpu.memory_space<semaphore_mem>>) src(%dma_wait3A_102 : memref<100000x128xf32, #tpu.memory_space<hbm>>) dst(%dma_wait3A_97 : memref<128x128xf32, #tpu.memory_space<vmem>>)
    %get3A = arith.constant 0 : i32
    %get3A_103 = arith.index_cast %get3A : i32 to index
    %get3A_104 = arith.constant 0 : index
    %get3A_105 = tpu.vector_load %arg10[%get3A_103, %get3A_104] {strides = array<i32>} : memref<2x16xf32, #tpu.memory_space<vmem>>, vector<1x16xf32>,
    %get3A_106 = vector.shape_cast %get3A_105 : vector<1x16xf32> to vector<16xf32>
    %scan3A = arith.constant 0 : i32
    %scan3A_107 = arith.constant 0 : i32
    %scan3A_108 = arith.constant 64 : i32
    %scan3A_109 = arith.addi %scan3A_107, %scan3A_108 : i32
    %scan3A_110 = arith.constant 1 : i32
    scf.for %scan3A_213 = %scan3A_107 to %scan3A_109 step %scan3A_110  : i32 {
      %mul3A_214 = arith.constant 2 : i32
      %mul3A_215 = arith.muli %scan3A_213, %mul3A_214 : i32
      %add3A_216 = arith.constant 0 : i32
      %add3A_217 = arith.addi %add3A_216, %mul3A_215 : i32
      %add3A_218 = arith.constant 0 : i32
      %add3A_219 = arith.addi %add3A_217, %add3A_218 : i32
      %get3A_220 = arith.index_cast %add3A_219 : i32 to index
      %get3A_221 = arith.constant 0 : index
      %get3A_222 = tpu.vector_load %arg9[%get3A_220, %get3A_221] {strides = array<i32>} : memref<512x128xf32, #tpu.memory_space<vmem>>, vector<1x16xf32>,
      %get3A_223 = vector.shape_cast %get3A_222 : vector<1x16xf32> to vector<16xf32>
      %mul3A_224 = arith.mulf %get3A_223, %get3A_106 : vector<16xf32>
      %add3A_225 = arith.constant 0 : i32
      %add3A_226 = arith.addi %add3A_217, %add3A_225 : i32
      %swap3A = arith.index_cast %add3A_226 : i32 to index
      %swap3A_227 = arith.constant 0 : index
      %swap3A_228 = tpu.vector_load %arg9[%swap3A, %swap3A_227] {strides = array<i32>} : memref<512x128xf32, #tpu.memory_space<vmem>>, vector<1x16xf32>,
      %swap3A_229 = vector.shape_cast %swap3A_228 : vector<1x16xf32> to vector<16xf32>
      %swap3A_230 = vector.shape_cast %mul3A_224 : vector<16xf32> to vector<1x16xf32>
      tpu.vector_store %arg9[%swap3A, %swap3A_227], %swap3A_230 {strides = array<i32>} : memref<512x128xf32, #tpu.memory_space<vmem>>, vector<1x16xf32>,
      %add3A_231 = arith.constant 0 : i32
      %add3A_232 = arith.addi %add3A_217, %add3A_231 : i32
      %get3A_233 = arith.index_cast %add3A_232 : i32 to index
      %get3A_234 = arith.constant 16 : index
      %get3A_235 = tpu.vector_load %arg9[%get3A_233, %get3A_234] {strides = array<i32>} : memref<512x128xf32, #tpu.memory_space<vmem>>, vector<1x16xf32>,
      %get3A_236 = vector.shape_cast %get3A_235 : vector<1x16xf32> to vector<16xf32>
      %mul3A_237 = arith.mulf %get3A_236, %get3A_106 : vector<16xf32>
      %add3A_238 = arith.constant 0 : i32
      %add3A_239 = arith.addi %add3A_217, %add3A_238 : i32
      %swap3A_240 = arith.index_cast %add3A_239 : i32 to index
      %swap3A_241 = arith.constant 16 : index
      %swap3A_242 = tpu.vector_load %arg9[%swap3A_240, %swap3A_241] {strides = array<i32>} : memref<512x128xf32, #tpu.memory_space<vmem>>, vector<1x16xf32>,
      %swap3A_243 = vector.shape_cast %swap3A_242 : vector<1x16xf32> to vector<16xf32>
      %swap3A_244 = vector.shape_cast %mul3A_237 : vector<16xf32> to vector<1x16xf32>
      tpu.vector_store %arg9[%swap3A_240, %swap3A_241], %swap3A_244 {strides = array<i32>} : memref<512x128xf32, #tpu.memory_space<vmem>>, vector<1x16xf32>,
      %add3A_245 = arith.constant 0 : i32
      %add3A_246 = arith.addi %add3A_217, %add3A_245 : i32
      %get3A_247 = arith.index_cast %add3A_246 : i32 to index
      %get3A_248 = arith.constant 32 : index
      %get3A_249 = tpu.vector_load %arg9[%get3A_247, %get3A_248] {strides = array<i32>} : memref<512x128xf32, #tpu.memory_space<vmem>>, vector<1x16xf32>,
      %get3A_250 = vector.shape_cast %get3A_249 : vector<1x16xf32> to vector<16xf32>
      %mul3A_251 = arith.mulf %get3A_250, %get3A_106 : vector<16xf32>
      %add3A_252 = arith.constant 0 : i32
      %add3A_253 = arith.addi %add3A_217, %add3A_252 : i32
      %swap3A_254 = arith.index_cast %add3A_253 : i32 to index
      %swap3A_255 = arith.constant 32 : index
      %swap3A_256 = tpu.vector_load %arg9[%swap3A_254, %swap3A_255] {strides = array<i32>} : memref<512x128xf32, #tpu.memory_space<vmem>>, vector<1x16xf32>,
      %swap3A_257 = vector.shape_cast %swap3A_256 : vector<1x16xf32> to vector<16xf32>
      %swap3A_258 = vector.shape_cast %mul3A_251 : vector<16xf32> to vector<1x16xf32>
      tpu.vector_store %arg9[%swap3A_254, %swap3A_255], %swap3A_258 {strides = array<i32>} : memref<512x128xf32, #tpu.memory_space<vmem>>, vector<1x16xf32>,
      %add3A_259 = arith.constant 0 : i32
      %add3A_260 = arith.addi %add3A_217, %add3A_259 : i32
      %get3A_261 = arith.index_cast %add3A_260 : i32 to index
      %get3A_262 = arith.constant 48 : index
      %get3A_263 = tpu.vector_load %arg9[%get3A_261, %get3A_262] {strides = array<i32>} : memref<512x128xf32, #tpu.memory_space<vmem>>, vector<1x16xf32>,
      %get3A_264 = vector.shape_cast %get3A_263 : vector<1x16xf32> to vector<16xf32>
      %mul3A_265 = arith.mulf %get3A_264, %get3A_106 : vector<16xf32>
      %add3A_266 = arith.constant 0 : i32
      %add3A_267 = arith.addi %add3A_217, %add3A_266 : i32
      %swap3A_268 = arith.index_cast %add3A_267 : i32 to index
      %swap3A_269 = arith.constant 48 : index
      %swap3A_270 = tpu.vector_load %arg9[%swap3A_268, %swap3A_269] {strides = array<i32>} : memref<512x128xf32, #tpu.memory_space<vmem>>, vector<1x16xf32>,
      %swap3A_271 = vector.shape_cast %swap3A_270 : vector<1x16xf32> to vector<16xf32>
      %swap3A_272 = vector.shape_cast %mul3A_265 : vector<16xf32> to vector<1x16xf32>
      tpu.vector_store %arg9[%swap3A_268, %swap3A_269], %swap3A_272 {strides = array<i32>} : memref<512x128xf32, #tpu.memory_space<vmem>>, vector<1x16xf32>,
      %add3A_273 = arith.constant 0 : i32
      %add3A_274 = arith.addi %add3A_217, %add3A_273 : i32
      %get3A_275 = arith.index_cast %add3A_274 : i32 to index
      %get3A_276 = arith.constant 64 : index
      %get3A_277 = tpu.vector_load %arg9[%get3A_275, %get3A_276] {strides = array<i32>} : memref<512x128xf32, #tpu.memory_space<vmem>>, vector<1x16xf32>,
      %get3A_278 = vector.shape_cast %get3A_277 : vector<1x16xf32> to vector<16xf32>
      %mul3A_279 = arith.mulf %get3A_278, %get3A_106 : vector<16xf32>
      %add3A_280 = arith.constant 0 : i32
      %add3A_281 = arith.addi %add3A_217, %add3A_280 : i32
      %swap3A_282 = arith.index_cast %add3A_281 : i32 to index
      %swap3A_283 = arith.constant 64 : index
      %swap3A_284 = tpu.vector_load %arg9[%swap3A_282, %swap3A_283] {strides = array<i32>} : memref<512x128xf32, #tpu.memory_space<vmem>>, vector<1x16xf32>,
      %swap3A_285 = vector.shape_cast %swap3A_284 : vector<1x16xf32> to vector<16xf32>
      %swap3A_286 = vector.shape_cast %mul3A_279 : vector<16xf32> to vector<1x16xf32>
      tpu.vector_store %arg9[%swap3A_282, %swap3A_283], %swap3A_286 {strides = array<i32>} : memref<512x128xf32, #tpu.memory_space<vmem>>, vector<1x16xf32>,
      %add3A_287 = arith.constant 0 : i32
      %add3A_288 = arith.addi %add3A_217, %add3A_287 : i32
      %get3A_289 = arith.index_cast %add3A_288 : i32 to index
      %get3A_290 = arith.constant 80 : index
      %get3A_291 = tpu.vector_load %arg9[%get3A_289, %get3A_290] {strides = array<i32>} : memref<512x128xf32, #tpu.memory_space<vmem>>, vector<1x16xf32>,
      %get3A_292 = vector.shape_cast %get3A_291 : vector<1x16xf32> to vector<16xf32>
      %mul3A_293 = arith.mulf %get3A_292, %get3A_106 : vector<16xf32>
      %add3A_294 = arith.constant 0 : i32
      %add3A_295 = arith.addi %add3A_217, %add3A_294 : i32
      %swap3A_296 = arith.index_cast %add3A_295 : i32 to index
      %swap3A_297 = arith.constant 80 : index
      %swap3A_298 = tpu.vector_load %arg9[%swap3A_296, %swap3A_297] {strides = array<i32>} : memref<512x128xf32, #tpu.memory_space<vmem>>, vector<1x16xf32>,
      %swap3A_299 = vector.shape_cast %swap3A_298 : vector<1x16xf32> to vector<16xf32>
      %swap3A_300 = vector.shape_cast %mul3A_293 : vector<16xf32> to vector<1x16xf32>
      tpu.vector_store %arg9[%swap3A_296, %swap3A_297], %swap3A_300 {strides = array<i32>} : memref<512x128xf32, #tpu.memory_space<vmem>>, vector<1x16xf32>,
      %add3A_301 = arith.constant 0 : i32
      %add3A_302 = arith.addi %add3A_217, %add3A_301 : i32
      %get3A_303 = arith.index_cast %add3A_302 : i32 to index
      %get3A_304 = arith.constant 96 : index
      %get3A_305 = tpu.vector_load %arg9[%get3A_303, %get3A_304] {strides = array<i32>} : memref<512x128xf32, #tpu.memory_space<vmem>>, vector<1x16xf32>,
      %get3A_306 = vector.shape_cast %get3A_305 : vector<1x16xf32> to vector<16xf32>
      %mul3A_307 = arith.mulf %get3A_306, %get3A_106 : vector<16xf32>
      %add3A_308 = arith.constant 0 : i32
      %add3A_309 = arith.addi %add3A_217, %add3A_308 : i32
      %swap3A_310 = arith.index_cast %add3A_309 : i32 to index
      %swap3A_311 = arith.constant 96 : index
      %swap3A_312 = tpu.vector_load %arg9[%swap3A_310, %swap3A_311] {strides = array<i32>} : memref<512x128xf32, #tpu.memory_space<vmem>>, vector<1x16xf32>,
      %swap3A_313 = vector.shape_cast %swap3A_312 : vector<1x16xf32> to vector<16xf32>
      %swap3A_314 = vector.shape_cast %mul3A_307 : vector<16xf32> to vector<1x16xf32>
      tpu.vector_store %arg9[%swap3A_310, %swap3A_311], %swap3A_314 {strides = array<i32>} : memref<512x128xf32, #tpu.memory_space<vmem>>, vector<1x16xf32>,
      %add3A_315 = arith.constant 0 : i32
      %add3A_316 = arith.addi %add3A_217, %add3A_315 : i32
      %get3A_317 = arith.index_cast %add3A_316 : i32 to index
      %get3A_318 = arith.constant 112 : index
      %get3A_319 = tpu.vector_load %arg9[%get3A_317, %get3A_318] {strides = array<i32>} : memref<512x128xf32, #tpu.memory_space<vmem>>, vector<1x16xf32>,
      %get3A_320 = vector.shape_cast %get3A_319 : vector<1x16xf32> to vector<16xf32>
      %mul3A_321 = arith.mulf %get3A_320, %get3A_106 : vector<16xf32>
      %add3A_322 = arith.constant 0 : i32
      %add3A_323 = arith.addi %add3A_217, %add3A_322 : i32
      %swap3A_324 = arith.index_cast %add3A_323 : i32 to index
      %swap3A_325 = arith.constant 112 : index
      %swap3A_326 = tpu.vector_load %arg9[%swap3A_324, %swap3A_325] {strides = array<i32>} : memref<512x128xf32, #tpu.memory_space<vmem>>, vector<1x16xf32>,
      %swap3A_327 = vector.shape_cast %swap3A_326 : vector<1x16xf32> to vector<16xf32>
      %swap3A_328 = vector.shape_cast %mul3A_321 : vector<16xf32> to vector<1x16xf32>
      tpu.vector_store %arg9[%swap3A_324, %swap3A_325], %swap3A_328 {strides = array<i32>} : memref<512x128xf32, #tpu.memory_space<vmem>>, vector<1x16xf32>,
      %add3A_329 = arith.constant 1 : i32
      %add3A_330 = arith.addi %add3A_217, %add3A_329 : i32
      %get3A_331 = arith.index_cast %add3A_330 : i32 to index
      %get3A_332 = arith.constant 0 : index
      %get3A_333 = tpu.vector_load %arg9[%get3A_331, %get3A_332] {strides = array<i32>} : memref<512x128xf32, #tpu.memory_space<vmem>>, vector<1x16xf32>,
      %get3A_334 = vector.shape_cast %get3A_333 : vector<1x16xf32> to vector<16xf32>
      %mul3A_335 = arith.mulf %get3A_334, %get3A_106 : vector<16xf32>
      %add3A_336 = arith.constant 1 : i32
      %add3A_337 = arith.addi %add3A_217, %add3A_336 : i32
      %swap3A_338 = arith.index_cast %add3A_337 : i32 to index
      %swap3A_339 = arith.constant 0 : index
      %swap3A_340 = tpu.vector_load %arg9[%swap3A_338, %swap3A_339] {strides = array<i32>} : memref<512x128xf32, #tpu.memory_space<vmem>>, vector<1x16xf32>,
      %swap3A_341 = vector.shape_cast %swap3A_340 : vector<1x16xf32> to vector<16xf32>
      %swap3A_342 = vector.shape_cast %mul3A_335 : vector<16xf32> to vector<1x16xf32>
      tpu.vector_store %arg9[%swap3A_338, %swap3A_339], %swap3A_342 {strides = array<i32>} : memref<512x128xf32, #tpu.memory_space<vmem>>, vector<1x16xf32>,
      %add3A_343 = arith.constant 1 : i32
      %add3A_344 = arith.addi %add3A_217, %add3A_343 : i32
      %get3A_345 = arith.index_cast %add3A_344 : i32 to index
      %get3A_346 = arith.constant 16 : index
      %get3A_347 = tpu.vector_load %arg9[%get3A_345, %get3A_346] {strides = array<i32>} : memref<512x128xf32, #tpu.memory_space<vmem>>, vector<1x16xf32>,
      %get3A_348 = vector.shape_cast %get3A_347 : vector<1x16xf32> to vector<16xf32>
      %mul3A_349 = arith.mulf %get3A_348, %get3A_106 : vector<16xf32>
      %add3A_350 = arith.constant 1 : i32
      %add3A_351 = arith.addi %add3A_217, %add3A_350 : i32
      %swap3A_352 = arith.index_cast %add3A_351 : i32 to index
      %swap3A_353 = arith.constant 16 : index
      %swap3A_354 = tpu.vector_load %arg9[%swap3A_352, %swap3A_353] {strides = array<i32>} : memref<512x128xf32, #tpu.memory_space<vmem>>, vector<1x16xf32>,
      %swap3A_355 = vector.shape_cast %swap3A_354 : vector<1x16xf32> to vector<16xf32>
      %swap3A_356 = vector.shape_cast %mul3A_349 : vector<16xf32> to vector<1x16xf32>
      tpu.vector_store %arg9[%swap3A_352, %swap3A_353], %swap3A_356 {strides = array<i32>} : memref<512x128xf32, #tpu.memory_space<vmem>>, vector<1x16xf32>,
      %add3A_357 = arith.constant 1 : i32
      %add3A_358 = arith.addi %add3A_217, %add3A_357 : i32
      %get3A_359 = arith.index_cast %add3A_358 : i32 to index
      %get3A_360 = arith.constant 32 : index
      %get3A_361 = tpu.vector_load %arg9[%get3A_359, %get3A_360] {strides = array<i32>} : memref<512x128xf32, #tpu.memory_space<vmem>>, vector<1x16xf32>,
      %get3A_362 = vector.shape_cast %get3A_361 : vector<1x16xf32> to vector<16xf32>
      %mul3A_363 = arith.mulf %get3A_362, %get3A_106 : vector<16xf32>
      %add3A_364 = arith.constant 1 : i32
      %add3A_365 = arith.addi %add3A_217, %add3A_364 : i32
      %swap3A_366 = arith.index_cast %add3A_365 : i32 to index
      %swap3A_367 = arith.constant 32 : index
      %swap3A_368 = tpu.vector_load %arg9[%swap3A_366, %swap3A_367] {strides = array<i32>} : memref<512x128xf32, #tpu.memory_space<vmem>>, vector<1x16xf32>,
      %swap3A_369 = vector.shape_cast %swap3A_368 : vector<1x16xf32> to vector<16xf32>
      %swap3A_370 = vector.shape_cast %mul3A_363 : vector<16xf32> to vector<1x16xf32>
      tpu.vector_store %arg9[%swap3A_366, %swap3A_367], %swap3A_370 {strides = array<i32>} : memref<512x128xf32, #tpu.memory_space<vmem>>, vector<1x16xf32>,
      %add3A_371 = arith.constant 1 : i32
      %add3A_372 = arith.addi %add3A_217, %add3A_371 : i32
      %get3A_373 = arith.index_cast %add3A_372 : i32 to index
      %get3A_374 = arith.constant 48 : index
      %get3A_375 = tpu.vector_load %arg9[%get3A_373, %get3A_374] {strides = array<i32>} : memref<512x128xf32, #tpu.memory_space<vmem>>, vector<1x16xf32>,
      %get3A_376 = vector.shape_cast %get3A_375 : vector<1x16xf32> to vector<16xf32>
      %mul3A_377 = arith.mulf %get3A_376, %get3A_106 : vector<16xf32>
      %add3A_378 = arith.constant 1 : i32
      %add3A_379 = arith.addi %add3A_217, %add3A_378 : i32
      %swap3A_380 = arith.index_cast %add3A_379 : i32 to index
      %swap3A_381 = arith.constant 48 : index
      %swap3A_382 = tpu.vector_load %arg9[%swap3A_380, %swap3A_381] {strides = array<i32>} : memref<512x128xf32, #tpu.memory_space<vmem>>, vector<1x16xf32>,
      %swap3A_383 = vector.shape_cast %swap3A_382 : vector<1x16xf32> to vector<16xf32>
      %swap3A_384 = vector.shape_cast %mul3A_377 : vector<16xf32> to vector<1x16xf32>
      tpu.vector_store %arg9[%swap3A_380, %swap3A_381], %swap3A_384 {strides = array<i32>} : memref<512x128xf32, #tpu.memory_space<vmem>>, vector<1x16xf32>,
      %add3A_385 = arith.constant 1 : i32
      %add3A_386 = arith.addi %add3A_217, %add3A_385 : i32
      %get3A_387 = arith.index_cast %add3A_386 : i32 to index
      %get3A_388 = arith.constant 64 : index
      %get3A_389 = tpu.vector_load %arg9[%get3A_387, %get3A_388] {strides = array<i32>} : memref<512x128xf32, #tpu.memory_space<vmem>>, vector<1x16xf32>,
      %get3A_390 = vector.shape_cast %get3A_389 : vector<1x16xf32> to vector<16xf32>
      %mul3A_391 = arith.mulf %get3A_390, %get3A_106 : vector<16xf32>
      %add3A_392 = arith.constant 1 : i32
      %add3A_393 = arith.addi %add3A_217, %add3A_392 : i32
      %swap3A_394 = arith.index_cast %add3A_393 : i32 to index
      %swap3A_395 = arith.constant 64 : index
      %swap3A_396 = tpu.vector_load %arg9[%swap3A_394, %swap3A_395] {strides = array<i32>} : memref<512x128xf32, #tpu.memory_space<vmem>>, vector<1x16xf32>,
      %swap3A_397 = vector.shape_cast %swap3A_396 : vector<1x16xf32> to vector<16xf32>
      %swap3A_398 = vector.shape_cast %mul3A_391 : vector<16xf32> to vector<1x16xf32>
      tpu.vector_store %arg9[%swap3A_394, %swap3A_395], %swap3A_398 {strides = array<i32>} : memref<512x128xf32, #tpu.memory_space<vmem>>, vector<1x16xf32>,
      %add3A_399 = arith.constant 1 : i32
      %add3A_400 = arith.addi %add3A_217, %add3A_399 : i32
      %get3A_401 = arith.index_cast %add3A_400 : i32 to index
      %get3A_402 = arith.constant 80 : index
      %get3A_403 = tpu.vector_load %arg9[%get3A_401, %get3A_402] {strides = array<i32>} : memref<512x128xf32, #tpu.memory_space<vmem>>, vector<1x16xf32>,
      %get3A_404 = vector.shape_cast %get3A_403 : vector<1x16xf32> to vector<16xf32>
      %mul3A_405 = arith.mulf %get3A_404, %get3A_106 : vector<16xf32>
      %add3A_406 = arith.constant 1 : i32
      %add3A_407 = arith.addi %add3A_217, %add3A_406 : i32
      %swap3A_408 = arith.index_cast %add3A_407 : i32 to index
      %swap3A_409 = arith.constant 80 : index
      %swap3A_410 = tpu.vector_load %arg9[%swap3A_408, %swap3A_409] {strides = array<i32>} : memref<512x128xf32, #tpu.memory_space<vmem>>, vector<1x16xf32>,
      %swap3A_411 = vector.shape_cast %swap3A_410 : vector<1x16xf32> to vector<16xf32>
      %swap3A_412 = vector.shape_cast %mul3A_405 : vector<16xf32> to vector<1x16xf32>
      tpu.vector_store %arg9[%swap3A_408, %swap3A_409], %swap3A_412 {strides = array<i32>} : memref<512x128xf32, #tpu.memory_space<vmem>>, vector<1x16xf32>,
      %add3A_413 = arith.constant 1 : i32
      %add3A_414 = arith.addi %add3A_217, %add3A_413 : i32
      %get3A_415 = arith.index_cast %add3A_414 : i32 to index
      %get3A_416 = arith.constant 96 : index
      %get3A_417 = tpu.vector_load %arg9[%get3A_415, %get3A_416] {strides = array<i32>} : memref<512x128xf32, #tpu.memory_space<vmem>>, vector<1x16xf32>,
      %get3A_418 = vector.shape_cast %get3A_417 : vector<1x16xf32> to vector<16xf32>
      %mul3A_419 = arith.mulf %get3A_418, %get3A_106 : vector<16xf32>
      %add3A_420 = arith.constant 1 : i32
      %add3A_421 = arith.addi %add3A_217, %add3A_420 : i32
      %swap3A_422 = arith.index_cast %add3A_421 : i32 to index
      %swap3A_423 = arith.constant 96 : index
      %swap3A_424 = tpu.vector_load %arg9[%swap3A_422, %swap3A_423] {strides = array<i32>} : memref<512x128xf32, #tpu.memory_space<vmem>>, vector<1x16xf32>,
      %swap3A_425 = vector.shape_cast %swap3A_424 : vector<1x16xf32> to vector<16xf32>
      %swap3A_426 = vector.shape_cast %mul3A_419 : vector<16xf32> to vector<1x16xf32>
      tpu.vector_store %arg9[%swap3A_422, %swap3A_423], %swap3A_426 {strides = array<i32>} : memref<512x128xf32, #tpu.memory_space<vmem>>, vector<1x16xf32>,
      %add3A_427 = arith.constant 1 : i32
      %add3A_428 = arith.addi %add3A_217, %add3A_427 : i32
      %get3A_429 = arith.index_cast %add3A_428 : i32 to index
      %get3A_430 = arith.constant 112 : index
      %get3A_431 = tpu.vector_load %arg9[%get3A_429, %get3A_430] {strides = array<i32>} : memref<512x128xf32, #tpu.memory_space<vmem>>, vector<1x16xf32>,
      %get3A_432 = vector.shape_cast %get3A_431 : vector<1x16xf32> to vector<16xf32>
      %mul3A_433 = arith.mulf %get3A_432, %get3A_106 : vector<16xf32>
      %add3A_434 = arith.constant 1 : i32
      %add3A_435 = arith.addi %add3A_217, %add3A_434 : i32
      %swap3A_436 = arith.index_cast %add3A_435 : i32 to index
      %swap3A_437 = arith.constant 112 : index
      %swap3A_438 = tpu.vector_load %arg9[%swap3A_436, %swap3A_437] {strides = array<i32>} : memref<512x128xf32, #tpu.memory_space<vmem>>, vector<1x16xf32>,
      %swap3A_439 = vector.shape_cast %swap3A_438 : vector<1x16xf32> to vector<16xf32>
      %swap3A_440 = vector.shape_cast %mul3A_433 : vector<16xf32> to vector<1x16xf32>
      tpu.vector_store %arg9[%swap3A_436, %swap3A_437], %swap3A_440 {strides = array<i32>} : memref<512x128xf32, #tpu.memory_space<vmem>>, vector<1x16xf32>,
    }
    %scan3A_111 = arith.constant 64 : i32
    %dma_wait3A_112 = arith.constant 128 : i32
    %dma_wait3A_113 = arith.constant 0 : i32
    %dma_wait3A_114 = tpu.memref_slice %arg9[%dma_wait3A_112, %dma_wait3A_113] : memref<512x128xf32, #tpu.memory_space<vmem>> -> memref<128x128xf32, #tpu.memory_space<vmem>>
    %dma_wait3A_115 = arith.constant 128 : i32
    %dma_wait3A_116 = tpu.memref_slice %arg8[%dma_wait3A_115] : memref<512xi32, #tpu.memory_space<vmem>> -> memref<128xi32, #tpu.memory_space<vmem>>
    %dma_wait3A_117 = arith.constant 0 : i32
    %dma_wait3A_118 = arith.constant 0 : i32
    %dma_wait3A_119 = tpu.memref_slice %arg5[%dma_wait3A_117, %dma_wait3A_118] : memref<100000x128xf32, #tpu.memory_space<hbm>> -> memref<100000x128xf32, #tpu.memory_space<hbm>>
    tpu.wait_indirect_dma semaphore(%arg12 : memref<!tpu.dma_semaphore, #tpu.memory_space<semaphore_mem>>) src(%dma_wait3A_119 : memref<100000x128xf32, #tpu.memory_space<hbm>>) dst(%dma_wait3A_114 : memref<128x128xf32, #tpu.memory_space<vmem>>)
    %get3A_120 = arith.constant 0 : i32
    %get3A_121 = arith.index_cast %get3A_120 : i32 to index
    %get3A_122 = arith.constant 0 : index
    %get3A_123 = tpu.vector_load %arg10[%get3A_121, %get3A_122] {strides = array<i32>} : memref<2x16xf32, #tpu.memory_space<vmem>>, vector<1x16xf32>,
    %get3A_124 = vector.shape_cast %get3A_123 : vector<1x16xf32> to vector<16xf32>
    %scan3A_125 = arith.constant 0 : i32
    %scan3A_126 = arith.constant 0 : i32
    %scan3A_127 = arith.constant 64 : i32
    %scan3A_128 = arith.addi %scan3A_126, %scan3A_127 : i32
    %scan3A_129 = arith.constant 1 : i32
    scf.for %scan3A_213 = %scan3A_126 to %scan3A_128 step %scan3A_129  : i32 {
      %mul3A_214 = arith.constant 2 : i32
      %mul3A_215 = arith.muli %scan3A_213, %mul3A_214 : i32
      %add3A_216 = arith.constant 128 : i32
      %add3A_217 = arith.addi %add3A_216, %mul3A_215 : i32
      %add3A_218 = arith.constant 0 : i32
      %add3A_219 = arith.addi %add3A_217, %add3A_218 : i32
      %get3A_220 = arith.index_cast %add3A_219 : i32 to index
      %get3A_221 = arith.constant 0 : index
      %get3A_222 = tpu.vector_load %arg9[%get3A_220, %get3A_221] {strides = array<i32>} : memref<512x128xf32, #tpu.memory_space<vmem>>, vector<1x16xf32>,
      %get3A_223 = vector.shape_cast %get3A_222 : vector<1x16xf32> to vector<16xf32>
      %mul3A_224 = arith.mulf %get3A_223, %get3A_124 : vector<16xf32>
      %add3A_225 = arith.constant 0 : i32
      %add3A_226 = arith.addi %add3A_217, %add3A_225 : i32
      %swap3A = arith.index_cast %add3A_226 : i32 to index
      %swap3A_227 = arith.constant 0 : index
      %swap3A_228 = tpu.vector_load %arg9[%swap3A, %swap3A_227] {strides = array<i32>} : memref<512x128xf32, #tpu.memory_space<vmem>>, vector<1x16xf32>,
      %swap3A_229 = vector.shape_cast %swap3A_228 : vector<1x16xf32> to vector<16xf32>
      %swap3A_230 = vector.shape_cast %mul3A_224 : vector<16xf32> to vector<1x16xf32>
      tpu.vector_store %arg9[%swap3A, %swap3A_227], %swap3A_230 {strides = array<i32>} : memref<512x128xf32, #tpu.memory_space<vmem>>, vector<1x16xf32>,
      %add3A_231 = arith.constant 0 : i32
      %add3A_232 = arith.addi %add3A_217, %add3A_231 : i32
      %get3A_233 = arith.index_cast %add3A_232 : i32 to index
      %get3A_234 = arith.constant 16 : index
      %get3A_235 = tpu.vector_load %arg9[%get3A_233, %get3A_234] {strides = array<i32>} : memref<512x128xf32, #tpu.memory_space<vmem>>, vector<1x16xf32>,
      %get3A_236 = vector.shape_cast %get3A_235 : vector<1x16xf32> to vector<16xf32>
      %mul3A_237 = arith.mulf %get3A_236, %get3A_124 : vector<16xf32>
      %add3A_238 = arith.constant 0 : i32
      %add3A_239 = arith.addi %add3A_217, %add3A_238 : i32
      %swap3A_240 = arith.index_cast %add3A_239 : i32 to index
      %swap3A_241 = arith.constant 16 : index
      %swap3A_242 = tpu.vector_load %arg9[%swap3A_240, %swap3A_241] {strides = array<i32>} : memref<512x128xf32, #tpu.memory_space<vmem>>, vector<1x16xf32>,
      %swap3A_243 = vector.shape_cast %swap3A_242 : vector<1x16xf32> to vector<16xf32>
      %swap3A_244 = vector.shape_cast %mul3A_237 : vector<16xf32> to vector<1x16xf32>
      tpu.vector_store %arg9[%swap3A_240, %swap3A_241], %swap3A_244 {strides = array<i32>} : memref<512x128xf32, #tpu.memory_space<vmem>>, vector<1x16xf32>,
      %add3A_245 = arith.constant 0 : i32
      %add3A_246 = arith.addi %add3A_217, %add3A_245 : i32
      %get3A_247 = arith.index_cast %add3A_246 : i32 to index
      %get3A_248 = arith.constant 32 : index
      %get3A_249 = tpu.vector_load %arg9[%get3A_247, %get3A_248] {strides = array<i32>} : memref<512x128xf32, #tpu.memory_space<vmem>>, vector<1x16xf32>,
      %get3A_250 = vector.shape_cast %get3A_249 : vector<1x16xf32> to vector<16xf32>
      %mul3A_251 = arith.mulf %get3A_250, %get3A_124 : vector<16xf32>
      %add3A_252 = arith.constant 0 : i32
      %add3A_253 = arith.addi %add3A_217, %add3A_252 : i32
      %swap3A_254 = arith.index_cast %add3A_253 : i32 to index
      %swap3A_255 = arith.constant 32 : index
      %swap3A_256 = tpu.vector_load %arg9[%swap3A_254, %swap3A_255] {strides = array<i32>} : memref<512x128xf32, #tpu.memory_space<vmem>>, vector<1x16xf32>,
      %swap3A_257 = vector.shape_cast %swap3A_256 : vector<1x16xf32> to vector<16xf32>
      %swap3A_258 = vector.shape_cast %mul3A_251 : vector<16xf32> to vector<1x16xf32>
      tpu.vector_store %arg9[%swap3A_254, %swap3A_255], %swap3A_258 {strides = array<i32>} : memref<512x128xf32, #tpu.memory_space<vmem>>, vector<1x16xf32>,
      %add3A_259 = arith.constant 0 : i32
      %add3A_260 = arith.addi %add3A_217, %add3A_259 : i32
      %get3A_261 = arith.index_cast %add3A_260 : i32 to index
      %get3A_262 = arith.constant 48 : index
      %get3A_263 = tpu.vector_load %arg9[%get3A_261, %get3A_262] {strides = array<i32>} : memref<512x128xf32, #tpu.memory_space<vmem>>, vector<1x16xf32>,
      %get3A_264 = vector.shape_cast %get3A_263 : vector<1x16xf32> to vector<16xf32>
      %mul3A_265 = arith.mulf %get3A_264, %get3A_124 : vector<16xf32>
      %add3A_266 = arith.constant 0 : i32
      %add3A_267 = arith.addi %add3A_217, %add3A_266 : i32
      %swap3A_268 = arith.index_cast %add3A_267 : i32 to index
      %swap3A_269 = arith.constant 48 : index
      %swap3A_270 = tpu.vector_load %arg9[%swap3A_268, %swap3A_269] {strides = array<i32>} : memref<512x128xf32, #tpu.memory_space<vmem>>, vector<1x16xf32>,
      %swap3A_271 = vector.shape_cast %swap3A_270 : vector<1x16xf32> to vector<16xf32>
      %swap3A_272 = vector.shape_cast %mul3A_265 : vector<16xf32> to vector<1x16xf32>
      tpu.vector_store %arg9[%swap3A_268, %swap3A_269], %swap3A_272 {strides = array<i32>} : memref<512x128xf32, #tpu.memory_space<vmem>>, vector<1x16xf32>,
      %add3A_273 = arith.constant 0 : i32
      %add3A_274 = arith.addi %add3A_217, %add3A_273 : i32
      %get3A_275 = arith.index_cast %add3A_274 : i32 to index
      %get3A_276 = arith.constant 64 : index
      %get3A_277 = tpu.vector_load %arg9[%get3A_275, %get3A_276] {strides = array<i32>} : memref<512x128xf32, #tpu.memory_space<vmem>>, vector<1x16xf32>,
      %get3A_278 = vector.shape_cast %get3A_277 : vector<1x16xf32> to vector<16xf32>
      %mul3A_279 = arith.mulf %get3A_278, %get3A_124 : vector<16xf32>
      %add3A_280 = arith.constant 0 : i32
      %add3A_281 = arith.addi %add3A_217, %add3A_280 : i32
      %swap3A_282 = arith.index_cast %add3A_281 : i32 to index
      %swap3A_283 = arith.constant 64 : index
      %swap3A_284 = tpu.vector_load %arg9[%swap3A_282, %swap3A_283] {strides = array<i32>} : memref<512x128xf32, #tpu.memory_space<vmem>>, vector<1x16xf32>,
      %swap3A_285 = vector.shape_cast %swap3A_284 : vector<1x16xf32> to vector<16xf32>
      %swap3A_286 = vector.shape_cast %mul3A_279 : vector<16xf32> to vector<1x16xf32>
      tpu.vector_store %arg9[%swap3A_282, %swap3A_283], %swap3A_286 {strides = array<i32>} : memref<512x128xf32, #tpu.memory_space<vmem>>, vector<1x16xf32>,
      %add3A_287 = arith.constant 0 : i32
      %add3A_288 = arith.addi %add3A_217, %add3A_287 : i32
      %get3A_289 = arith.index_cast %add3A_288 : i32 to index
      %get3A_290 = arith.constant 80 : index
      %get3A_291 = tpu.vector_load %arg9[%get3A_289, %get3A_290] {strides = array<i32>} : memref<512x128xf32, #tpu.memory_space<vmem>>, vector<1x16xf32>,
      %get3A_292 = vector.shape_cast %get3A_291 : vector<1x16xf32> to vector<16xf32>
      %mul3A_293 = arith.mulf %get3A_292, %get3A_124 : vector<16xf32>
      %add3A_294 = arith.constant 0 : i32
      %add3A_295 = arith.addi %add3A_217, %add3A_294 : i32
      %swap3A_296 = arith.index_cast %add3A_295 : i32 to index
      %swap3A_297 = arith.constant 80 : index
      %swap3A_298 = tpu.vector_load %arg9[%swap3A_296, %swap3A_297] {strides = array<i32>} : memref<512x128xf32, #tpu.memory_space<vmem>>, vector<1x16xf32>,
      %swap3A_299 = vector.shape_cast %swap3A_298 : vector<1x16xf32> to vector<16xf32>
      %swap3A_300 = vector.shape_cast %mul3A_293 : vector<16xf32> to vector<1x16xf32>
      tpu.vector_store %arg9[%swap3A_296, %swap3A_297], %swap3A_300 {strides = array<i32>} : memref<512x128xf32, #tpu.memory_space<vmem>>, vector<1x16xf32>,
      %add3A_301 = arith.constant 0 : i32
      %add3A_302 = arith.addi %add3A_217, %add3A_301 : i32
      %get3A_303 = arith.index_cast %add3A_302 : i32 to index
      %get3A_304 = arith.constant 96 : index
      %get3A_305 = tpu.vector_load %arg9[%get3A_303, %get3A_304] {strides = array<i32>} : memref<512x128xf32, #tpu.memory_space<vmem>>, vector<1x16xf32>,
      %get3A_306 = vector.shape_cast %get3A_305 : vector<1x16xf32> to vector<16xf32>
      %mul3A_307 = arith.mulf %get3A_306, %get3A_124 : vector<16xf32>
      %add3A_308 = arith.constant 0 : i32
      %add3A_309 = arith.addi %add3A_217, %add3A_308 : i32
      %swap3A_310 = arith.index_cast %add3A_309 : i32 to index
      %swap3A_311 = arith.constant 96 : index
      %swap3A_312 = tpu.vector_load %arg9[%swap3A_310, %swap3A_311] {strides = array<i32>} : memref<512x128xf32, #tpu.memory_space<vmem>>, vector<1x16xf32>,
      %swap3A_313 = vector.shape_cast %swap3A_312 : vector<1x16xf32> to vector<16xf32>
      %swap3A_314 = vector.shape_cast %mul3A_307 : vector<16xf32> to vector<1x16xf32>
      tpu.vector_store %arg9[%swap3A_310, %swap3A_311], %swap3A_314 {strides = array<i32>} : memref<512x128xf32, #tpu.memory_space<vmem>>, vector<1x16xf32>,
      %add3A_315 = arith.constant 0 : i32
      %add3A_316 = arith.addi %add3A_217, %add3A_315 : i32
      %get3A_317 = arith.index_cast %add3A_316 : i32 to index
      %get3A_318 = arith.constant 112 : index
      %get3A_319 = tpu.vector_load %arg9[%get3A_317, %get3A_318] {strides = array<i32>} : memref<512x128xf32, #tpu.memory_space<vmem>>, vector<1x16xf32>,
      %get3A_320 = vector.shape_cast %get3A_319 : vector<1x16xf32> to vector<16xf32>
      %mul3A_321 = arith.mulf %get3A_320, %get3A_124 : vector<16xf32>
      %add3A_322 = arith.constant 0 : i32
      %add3A_323 = arith.addi %add3A_217, %add3A_322 : i32
      %swap3A_324 = arith.index_cast %add3A_323 : i32 to index
      %swap3A_325 = arith.constant 112 : index
      %swap3A_326 = tpu.vector_load %arg9[%swap3A_324, %swap3A_325] {strides = array<i32>} : memref<512x128xf32, #tpu.memory_space<vmem>>, vector<1x16xf32>,
      %swap3A_327 = vector.shape_cast %swap3A_326 : vector<1x16xf32> to vector<16xf32>
      %swap3A_328 = vector.shape_cast %mul3A_321 : vector<16xf32> to vector<1x16xf32>
      tpu.vector_store %arg9[%swap3A_324, %swap3A_325], %swap3A_328 {strides = array<i32>} : memref<512x128xf32, #tpu.memory_space<vmem>>, vector<1x16xf32>,
      %add3A_329 = arith.constant 1 : i32
      %add3A_330 = arith.addi %add3A_217, %add3A_329 : i32
      %get3A_331 = arith.index_cast %add3A_330 : i32 to index
      %get3A_332 = arith.constant 0 : index
      %get3A_333 = tpu.vector_load %arg9[%get3A_331, %get3A_332] {strides = array<i32>} : memref<512x128xf32, #tpu.memory_space<vmem>>, vector<1x16xf32>,
      %get3A_334 = vector.shape_cast %get3A_333 : vector<1x16xf32> to vector<16xf32>
      %mul3A_335 = arith.mulf %get3A_334, %get3A_124 : vector<16xf32>
      %add3A_336 = arith.constant 1 : i32
      %add3A_337 = arith.addi %add3A_217, %add3A_336 : i32
      %swap3A_338 = arith.index_cast %add3A_337 : i32 to index
      %swap3A_339 = arith.constant 0 : index
      %swap3A_340 = tpu.vector_load %arg9[%swap3A_338, %swap3A_339] {strides = array<i32>} : memref<512x128xf32, #tpu.memory_space<vmem>>, vector<1x16xf32>,
      %swap3A_341 = vector.shape_cast %swap3A_340 : vector<1x16xf32> to vector<16xf32>
      %swap3A_342 = vector.shape_cast %mul3A_335 : vector<16xf32> to vector<1x16xf32>
      tpu.vector_store %arg9[%swap3A_338, %swap3A_339], %swap3A_342 {strides = array<i32>} : memref<512x128xf32, #tpu.memory_space<vmem>>, vector<1x16xf32>,
      %add3A_343 = arith.constant 1 : i32
      %add3A_344 = arith.addi %add3A_217, %add3A_343 : i32
      %get3A_345 = arith.index_cast %add3A_344 : i32 to index
      %get3A_346 = arith.constant 16 : index
      %get3A_347 = tpu.vector_load %arg9[%get3A_345, %get3A_346] {strides = array<i32>} : memref<512x128xf32, #tpu.memory_space<vmem>>, vector<1x16xf32>,
      %get3A_348 = vector.shape_cast %get3A_347 : vector<1x16xf32> to vector<16xf32>
      %mul3A_349 = arith.mulf %get3A_348, %get3A_124 : vector<16xf32>
      %add3A_350 = arith.constant 1 : i32
      %add3A_351 = arith.addi %add3A_217, %add3A_350 : i32
      %swap3A_352 = arith.index_cast %add3A_351 : i32 to index
      %swap3A_353 = arith.constant 16 : index
      %swap3A_354 = tpu.vector_load %arg9[%swap3A_352, %swap3A_353] {strides = array<i32>} : memref<512x128xf32, #tpu.memory_space<vmem>>, vector<1x16xf32>,
      %swap3A_355 = vector.shape_cast %swap3A_354 : vector<1x16xf32> to vector<16xf32>
      %swap3A_356 = vector.shape_cast %mul3A_349 : vector<16xf32> to vector<1x16xf32>
      tpu.vector_store %arg9[%swap3A_352, %swap3A_353], %swap3A_356 {strides = array<i32>} : memref<512x128xf32, #tpu.memory_space<vmem>>, vector<1x16xf32>,
      %add3A_357 = arith.constant 1 : i32
      %add3A_358 = arith.addi %add3A_217, %add3A_357 : i32
      %get3A_359 = arith.index_cast %add3A_358 : i32 to index
      %get3A_360 = arith.constant 32 : index
      %get3A_361 = tpu.vector_load %arg9[%get3A_359, %get3A_360] {strides = array<i32>} : memref<512x128xf32, #tpu.memory_space<vmem>>, vector<1x16xf32>,
      %get3A_362 = vector.shape_cast %get3A_361 : vector<1x16xf32> to vector<16xf32>
      %mul3A_363 = arith.mulf %get3A_362, %get3A_124 : vector<16xf32>
      %add3A_364 = arith.constant 1 : i32
      %add3A_365 = arith.addi %add3A_217, %add3A_364 : i32
      %swap3A_366 = arith.index_cast %add3A_365 : i32 to index
      %swap3A_367 = arith.constant 32 : index
      %swap3A_368 = tpu.vector_load %arg9[%swap3A_366, %swap3A_367] {strides = array<i32>} : memref<512x128xf32, #tpu.memory_space<vmem>>, vector<1x16xf32>,
      %swap3A_369 = vector.shape_cast %swap3A_368 : vector<1x16xf32> to vector<16xf32>
      %swap3A_370 = vector.shape_cast %mul3A_363 : vector<16xf32> to vector<1x16xf32>
      tpu.vector_store %arg9[%swap3A_366, %swap3A_367], %swap3A_370 {strides = array<i32>} : memref<512x128xf32, #tpu.memory_space<vmem>>, vector<1x16xf32>,
      %add3A_371 = arith.constant 1 : i32
      %add3A_372 = arith.addi %add3A_217, %add3A_371 : i32
      %get3A_373 = arith.index_cast %add3A_372 : i32 to index
      %get3A_374 = arith.constant 48 : index
      %get3A_375 = tpu.vector_load %arg9[%get3A_373, %get3A_374] {strides = array<i32>} : memref<512x128xf32, #tpu.memory_space<vmem>>, vector<1x16xf32>,
      %get3A_376 = vector.shape_cast %get3A_375 : vector<1x16xf32> to vector<16xf32>
      %mul3A_377 = arith.mulf %get3A_376, %get3A_124 : vector<16xf32>
      %add3A_378 = arith.constant 1 : i32
      %add3A_379 = arith.addi %add3A_217, %add3A_378 : i32
      %swap3A_380 = arith.index_cast %add3A_379 : i32 to index
      %swap3A_381 = arith.constant 48 : index
      %swap3A_382 = tpu.vector_load %arg9[%swap3A_380, %swap3A_381] {strides = array<i32>} : memref<512x128xf32, #tpu.memory_space<vmem>>, vector<1x16xf32>,
      %swap3A_383 = vector.shape_cast %swap3A_382 : vector<1x16xf32> to vector<16xf32>
      %swap3A_384 = vector.shape_cast %mul3A_377 : vector<16xf32> to vector<1x16xf32>
      tpu.vector_store %arg9[%swap3A_380, %swap3A_381], %swap3A_384 {strides = array<i32>} : memref<512x128xf32, #tpu.memory_space<vmem>>, vector<1x16xf32>,
      %add3A_385 = arith.constant 1 : i32
      %add3A_386 = arith.addi %add3A_217, %add3A_385 : i32
      %get3A_387 = arith.index_cast %add3A_386 : i32 to index
      %get3A_388 = arith.constant 64 : index
      %get3A_389 = tpu.vector_load %arg9[%get3A_387, %get3A_388] {strides = array<i32>} : memref<512x128xf32, #tpu.memory_space<vmem>>, vector<1x16xf32>,
      %get3A_390 = vector.shape_cast %get3A_389 : vector<1x16xf32> to vector<16xf32>
      %mul3A_391 = arith.mulf %get3A_390, %get3A_124 : vector<16xf32>
      %add3A_392 = arith.constant 1 : i32
      %add3A_393 = arith.addi %add3A_217, %add3A_392 : i32
      %swap3A_394 = arith.index_cast %add3A_393 : i32 to index
      %swap3A_395 = arith.constant 64 : index
      %swap3A_396 = tpu.vector_load %arg9[%swap3A_394, %swap3A_395] {strides = array<i32>} : memref<512x128xf32, #tpu.memory_space<vmem>>, vector<1x16xf32>,
      %swap3A_397 = vector.shape_cast %swap3A_396 : vector<1x16xf32> to vector<16xf32>
      %swap3A_398 = vector.shape_cast %mul3A_391 : vector<16xf32> to vector<1x16xf32>
      tpu.vector_store %arg9[%swap3A_394, %swap3A_395], %swap3A_398 {strides = array<i32>} : memref<512x128xf32, #tpu.memory_space<vmem>>, vector<1x16xf32>,
      %add3A_399 = arith.constant 1 : i32
      %add3A_400 = arith.addi %add3A_217, %add3A_399 : i32
      %get3A_401 = arith.index_cast %add3A_400 : i32 to index
      %get3A_402 = arith.constant 80 : index
      %get3A_403 = tpu.vector_load %arg9[%get3A_401, %get3A_402] {strides = array<i32>} : memref<512x128xf32, #tpu.memory_space<vmem>>, vector<1x16xf32>,
      %get3A_404 = vector.shape_cast %get3A_403 : vector<1x16xf32> to vector<16xf32>
      %mul3A_405 = arith.mulf %get3A_404, %get3A_124 : vector<16xf32>
      %add3A_406 = arith.constant 1 : i32
      %add3A_407 = arith.addi %add3A_217, %add3A_406 : i32
      %swap3A_408 = arith.index_cast %add3A_407 : i32 to index
      %swap3A_409 = arith.constant 80 : index
      %swap3A_410 = tpu.vector_load %arg9[%swap3A_408, %swap3A_409] {strides = array<i32>} : memref<512x128xf32, #tpu.memory_space<vmem>>, vector<1x16xf32>,
      %swap3A_411 = vector.shape_cast %swap3A_410 : vector<1x16xf32> to vector<16xf32>
      %swap3A_412 = vector.shape_cast %mul3A_405 : vector<16xf32> to vector<1x16xf32>
      tpu.vector_store %arg9[%swap3A_408, %swap3A_409], %swap3A_412 {strides = array<i32>} : memref<512x128xf32, #tpu.memory_space<vmem>>, vector<1x16xf32>,
      %add3A_413 = arith.constant 1 : i32
      %add3A_414 = arith.addi %add3A_217, %add3A_413 : i32
      %get3A_415 = arith.index_cast %add3A_414 : i32 to index
      %get3A_416 = arith.constant 96 : index
      %get3A_417 = tpu.vector_load %arg9[%get3A_415, %get3A_416] {strides = array<i32>} : memref<512x128xf32, #tpu.memory_space<vmem>>, vector<1x16xf32>,
      %get3A_418 = vector.shape_cast %get3A_417 : vector<1x16xf32> to vector<16xf32>
      %mul3A_419 = arith.mulf %get3A_418, %get3A_124 : vector<16xf32>
      %add3A_420 = arith.constant 1 : i32
      %add3A_421 = arith.addi %add3A_217, %add3A_420 : i32
      %swap3A_422 = arith.index_cast %add3A_421 : i32 to index
      %swap3A_423 = arith.constant 96 : index
      %swap3A_424 = tpu.vector_load %arg9[%swap3A_422, %swap3A_423] {strides = array<i32>} : memref<512x128xf32, #tpu.memory_space<vmem>>, vector<1x16xf32>,
      %swap3A_425 = vector.shape_cast %swap3A_424 : vector<1x16xf32> to vector<16xf32>
      %swap3A_426 = vector.shape_cast %mul3A_419 : vector<16xf32> to vector<1x16xf32>
      tpu.vector_store %arg9[%swap3A_422, %swap3A_423], %swap3A_426 {strides = array<i32>} : memref<512x128xf32, #tpu.memory_space<vmem>>, vector<1x16xf32>,
      %add3A_427 = arith.constant 1 : i32
      %add3A_428 = arith.addi %add3A_217, %add3A_427 : i32
      %get3A_429 = arith.index_cast %add3A_428 : i32 to index
      %get3A_430 = arith.constant 112 : index
      %get3A_431 = tpu.vector_load %arg9[%get3A_429, %get3A_430] {strides = array<i32>} : memref<512x128xf32, #tpu.memory_space<vmem>>, vector<1x16xf32>,
      %get3A_432 = vector.shape_cast %get3A_431 : vector<1x16xf32> to vector<16xf32>
      %mul3A_433 = arith.mulf %get3A_432, %get3A_124 : vector<16xf32>
      %add3A_434 = arith.constant 1 : i32
      %add3A_435 = arith.addi %add3A_217, %add3A_434 : i32
      %swap3A_436 = arith.index_cast %add3A_435 : i32 to index
      %swap3A_437 = arith.constant 112 : index
      %swap3A_438 = tpu.vector_load %arg9[%swap3A_436, %swap3A_437] {strides = array<i32>} : memref<512x128xf32, #tpu.memory_space<vmem>>, vector<1x16xf32>,
      %swap3A_439 = vector.shape_cast %swap3A_438 : vector<1x16xf32> to vector<16xf32>
      %swap3A_440 = vector.shape_cast %mul3A_433 : vector<16xf32> to vector<1x16xf32>
      tpu.vector_store %arg9[%swap3A_436, %swap3A_437], %swap3A_440 {strides = array<i32>} : memref<512x128xf32, #tpu.memory_space<vmem>>, vector<1x16xf32>,
    }
    %scan3A_130 = arith.constant 64 : i32
    %mul3A_131 = arith.constant 256 : i32
    %mul3A_132 = arith.muli %add3A, %mul3A_131 : i32
    %dma_start3A_133 = arith.constant 0 : i32
    %dma_start3A_134 = arith.constant 0 : i32
    %dma_start3A_135 = tpu.memref_slice %arg9[%dma_start3A_133, %dma_start3A_134] : memref<512x128xf32, #tpu.memory_space<vmem>> -> memref<256x128xf32, #tpu.memory_space<vmem>>
    %dma_start3A_136 = arith.constant 0 : i32
    %dma_start3A_137 = tpu.memref_slice %arg6[%mul3A_132, %dma_start3A_136] : memref<8192x128xf32, #tpu.memory_space<hbm>> -> memref<256x128xf32, #tpu.memory_space<hbm>>
    %dma_start3A_138 = arith.constant 0 : i32
    %dma_start3A_139 = tpu.memref_slice %arg6[%mul3A_132, %dma_start3A_138] : memref<8192x128xf32, #tpu.memory_space<hbm>> -> memref<256x128xf32, #tpu.memory_space<hbm>>
    %dma_start3A_140 = arith.constant 0 : i32
    %dma_start3A_141 = arith.constant 0 : i32
    %dma_start3A_142 = tpu.memref_slice %arg9[%dma_start3A_140, %dma_start3A_141] : memref<512x128xf32, #tpu.memory_space<vmem>> -> memref<256x128xf32, #tpu.memory_space<vmem>>
    tpu.enqueue_dma source(%dma_start3A_142 : memref<256x128xf32, #tpu.memory_space<vmem>>) target(%dma_start3A_139 : memref<256x128xf32, #tpu.memory_space<hbm>>) target_semaphore(%arg15 : memref<!tpu.dma_semaphore, #tpu.memory_space<semaphore_mem>>)
    %dma_wait3A_143 = arith.constant 256 : i32
    %dma_wait3A_144 = arith.constant 0 : i32
    %dma_wait3A_145 = tpu.memref_slice %arg9[%dma_wait3A_143, %dma_wait3A_144] : memref<512x128xf32, #tpu.memory_space<vmem>> -> memref<128x128xf32, #tpu.memory_space<vmem>>
    %dma_wait3A_146 = arith.constant 256 : i32
    %dma_wait3A_147 = tpu.memref_slice %arg8[%dma_wait3A_146] : memref<512xi32, #tpu.memory_space<vmem>> -> memref<128xi32, #tpu.memory_space<vmem>>
    %dma_wait3A_148 = arith.constant 0 : i32
    %dma_wait3A_149 = arith.constant 0 : i32
    %dma_wait3A_150 = tpu.memref_slice %arg5[%dma_wait3A_148, %dma_wait3A_149] : memref<100000x128xf32, #tpu.memory_space<hbm>> -> memref<100000x128xf32, #tpu.memory_space<hbm>>
    tpu.wait_indirect_dma semaphore(%arg13 : memref<!tpu.dma_semaphore, #tpu.memory_space<semaphore_mem>>) src(%dma_wait3A_150 : memref<100000x128xf32, #tpu.memory_space<hbm>>) dst(%dma_wait3A_145 : memref<128x128xf32, #tpu.memory_space<vmem>>)
    %get3A_151 = arith.constant 1 : i32
    %get3A_152 = arith.index_cast %get3A_151 : i32 to index
    %get3A_153 = arith.constant 0 : index
    %get3A_154 = tpu.vector_load %arg10[%get3A_152, %get3A_153] {strides = array<i32>} : memref<2x16xf32, #tpu.memory_space<vmem>>, vector<1x16xf32>,
    %get3A_155 = vector.shape_cast %get3A_154 : vector<1x16xf32> to vector<16xf32>
    %scan3A_156 = arith.constant 0 : i32
    %scan3A_157 = arith.constant 0 : i32
    %scan3A_158 = arith.constant 64 : i32
    %scan3A_159 = arith.addi %scan3A_157, %scan3A_158 : i32
    %scan3A_160 = arith.constant 1 : i32
    scf.for %scan3A_213 = %scan3A_157 to %scan3A_159 step %scan3A_160  : i32 {
      %mul3A_214 = arith.constant 2 : i32
      %mul3A_215 = arith.muli %scan3A_213, %mul3A_214 : i32
      %add3A_216 = arith.constant 256 : i32
      %add3A_217 = arith.addi %add3A_216, %mul3A_215 : i32
      %add3A_218 = arith.constant 0 : i32
      %add3A_219 = arith.addi %add3A_217, %add3A_218 : i32
      %get3A_220 = arith.index_cast %add3A_219 : i32 to index
      %get3A_221 = arith.constant 0 : index
      %get3A_222 = tpu.vector_load %arg9[%get3A_220, %get3A_221] {strides = array<i32>} : memref<512x128xf32, #tpu.memory_space<vmem>>, vector<1x16xf32>,
      %get3A_223 = vector.shape_cast %get3A_222 : vector<1x16xf32> to vector<16xf32>
      %mul3A_224 = arith.mulf %get3A_223, %get3A_155 : vector<16xf32>
      %add3A_225 = arith.constant 0 : i32
      %add3A_226 = arith.addi %add3A_217, %add3A_225 : i32
      %swap3A = arith.index_cast %add3A_226 : i32 to index
      %swap3A_227 = arith.constant 0 : index
      %swap3A_228 = tpu.vector_load %arg9[%swap3A, %swap3A_227] {strides = array<i32>} : memref<512x128xf32, #tpu.memory_space<vmem>>, vector<1x16xf32>,
      %swap3A_229 = vector.shape_cast %swap3A_228 : vector<1x16xf32> to vector<16xf32>
      %swap3A_230 = vector.shape_cast %mul3A_224 : vector<16xf32> to vector<1x16xf32>
      tpu.vector_store %arg9[%swap3A, %swap3A_227], %swap3A_230 {strides = array<i32>} : memref<512x128xf32, #tpu.memory_space<vmem>>, vector<1x16xf32>,
      %add3A_231 = arith.constant 0 : i32
      %add3A_232 = arith.addi %add3A_217, %add3A_231 : i32
      %get3A_233 = arith.index_cast %add3A_232 : i32 to index
      %get3A_234 = arith.constant 16 : index
      %get3A_235 = tpu.vector_load %arg9[%get3A_233, %get3A_234] {strides = array<i32>} : memref<512x128xf32, #tpu.memory_space<vmem>>, vector<1x16xf32>,
      %get3A_236 = vector.shape_cast %get3A_235 : vector<1x16xf32> to vector<16xf32>
      %mul3A_237 = arith.mulf %get3A_236, %get3A_155 : vector<16xf32>
      %add3A_238 = arith.constant 0 : i32
      %add3A_239 = arith.addi %add3A_217, %add3A_238 : i32
      %swap3A_240 = arith.index_cast %add3A_239 : i32 to index
      %swap3A_241 = arith.constant 16 : index
      %swap3A_242 = tpu.vector_load %arg9[%swap3A_240, %swap3A_241] {strides = array<i32>} : memref<512x128xf32, #tpu.memory_space<vmem>>, vector<1x16xf32>,
      %swap3A_243 = vector.shape_cast %swap3A_242 : vector<1x16xf32> to vector<16xf32>
      %swap3A_244 = vector.shape_cast %mul3A_237 : vector<16xf32> to vector<1x16xf32>
      tpu.vector_store %arg9[%swap3A_240, %swap3A_241], %swap3A_244 {strides = array<i32>} : memref<512x128xf32, #tpu.memory_space<vmem>>, vector<1x16xf32>,
      %add3A_245 = arith.constant 0 : i32
      %add3A_246 = arith.addi %add3A_217, %add3A_245 : i32
      %get3A_247 = arith.index_cast %add3A_246 : i32 to index
      %get3A_248 = arith.constant 32 : index
      %get3A_249 = tpu.vector_load %arg9[%get3A_247, %get3A_248] {strides = array<i32>} : memref<512x128xf32, #tpu.memory_space<vmem>>, vector<1x16xf32>,
      %get3A_250 = vector.shape_cast %get3A_249 : vector<1x16xf32> to vector<16xf32>
      %mul3A_251 = arith.mulf %get3A_250, %get3A_155 : vector<16xf32>
      %add3A_252 = arith.constant 0 : i32
      %add3A_253 = arith.addi %add3A_217, %add3A_252 : i32
      %swap3A_254 = arith.index_cast %add3A_253 : i32 to index
      %swap3A_255 = arith.constant 32 : index
      %swap3A_256 = tpu.vector_load %arg9[%swap3A_254, %swap3A_255] {strides = array<i32>} : memref<512x128xf32, #tpu.memory_space<vmem>>, vector<1x16xf32>,
      %swap3A_257 = vector.shape_cast %swap3A_256 : vector<1x16xf32> to vector<16xf32>
      %swap3A_258 = vector.shape_cast %mul3A_251 : vector<16xf32> to vector<1x16xf32>
      tpu.vector_store %arg9[%swap3A_254, %swap3A_255], %swap3A_258 {strides = array<i32>} : memref<512x128xf32, #tpu.memory_space<vmem>>, vector<1x16xf32>,
      %add3A_259 = arith.constant 0 : i32
      %add3A_260 = arith.addi %add3A_217, %add3A_259 : i32
      %get3A_261 = arith.index_cast %add3A_260 : i32 to index
      %get3A_262 = arith.constant 48 : index
      %get3A_263 = tpu.vector_load %arg9[%get3A_261, %get3A_262] {strides = array<i32>} : memref<512x128xf32, #tpu.memory_space<vmem>>, vector<1x16xf32>,
      %get3A_264 = vector.shape_cast %get3A_263 : vector<1x16xf32> to vector<16xf32>
      %mul3A_265 = arith.mulf %get3A_264, %get3A_155 : vector<16xf32>
      %add3A_266 = arith.constant 0 : i32
      %add3A_267 = arith.addi %add3A_217, %add3A_266 : i32
      %swap3A_268 = arith.index_cast %add3A_267 : i32 to index
      %swap3A_269 = arith.constant 48 : index
      %swap3A_270 = tpu.vector_load %arg9[%swap3A_268, %swap3A_269] {strides = array<i32>} : memref<512x128xf32, #tpu.memory_space<vmem>>, vector<1x16xf32>,
      %swap3A_271 = vector.shape_cast %swap3A_270 : vector<1x16xf32> to vector<16xf32>
      %swap3A_272 = vector.shape_cast %mul3A_265 : vector<16xf32> to vector<1x16xf32>
      tpu.vector_store %arg9[%swap3A_268, %swap3A_269], %swap3A_272 {strides = array<i32>} : memref<512x128xf32, #tpu.memory_space<vmem>>, vector<1x16xf32>,
      %add3A_273 = arith.constant 0 : i32
      %add3A_274 = arith.addi %add3A_217, %add3A_273 : i32
      %get3A_275 = arith.index_cast %add3A_274 : i32 to index
      %get3A_276 = arith.constant 64 : index
      %get3A_277 = tpu.vector_load %arg9[%get3A_275, %get3A_276] {strides = array<i32>} : memref<512x128xf32, #tpu.memory_space<vmem>>, vector<1x16xf32>,
      %get3A_278 = vector.shape_cast %get3A_277 : vector<1x16xf32> to vector<16xf32>
      %mul3A_279 = arith.mulf %get3A_278, %get3A_155 : vector<16xf32>
      %add3A_280 = arith.constant 0 : i32
      %add3A_281 = arith.addi %add3A_217, %add3A_280 : i32
      %swap3A_282 = arith.index_cast %add3A_281 : i32 to index
      %swap3A_283 = arith.constant 64 : index
      %swap3A_284 = tpu.vector_load %arg9[%swap3A_282, %swap3A_283] {strides = array<i32>} : memref<512x128xf32, #tpu.memory_space<vmem>>, vector<1x16xf32>,
      %swap3A_285 = vector.shape_cast %swap3A_284 : vector<1x16xf32> to vector<16xf32>
      %swap3A_286 = vector.shape_cast %mul3A_279 : vector<16xf32> to vector<1x16xf32>
      tpu.vector_store %arg9[%swap3A_282, %swap3A_283], %swap3A_286 {strides = array<i32>} : memref<512x128xf32, #tpu.memory_space<vmem>>, vector<1x16xf32>,
      %add3A_287 = arith.constant 0 : i32
      %add3A_288 = arith.addi %add3A_217, %add3A_287 : i32
      %get3A_289 = arith.index_cast %add3A_288 : i32 to index
      %get3A_290 = arith.constant 80 : index
      %get3A_291 = tpu.vector_load %arg9[%get3A_289, %get3A_290] {strides = array<i32>} : memref<512x128xf32, #tpu.memory_space<vmem>>, vector<1x16xf32>,
      %get3A_292 = vector.shape_cast %get3A_291 : vector<1x16xf32> to vector<16xf32>
      %mul3A_293 = arith.mulf %get3A_292, %get3A_155 : vector<16xf32>
      %add3A_294 = arith.constant 0 : i32
      %add3A_295 = arith.addi %add3A_217, %add3A_294 : i32
      %swap3A_296 = arith.index_cast %add3A_295 : i32 to index
      %swap3A_297 = arith.constant 80 : index
      %swap3A_298 = tpu.vector_load %arg9[%swap3A_296, %swap3A_297] {strides = array<i32>} : memref<512x128xf32, #tpu.memory_space<vmem>>, vector<1x16xf32>,
      %swap3A_299 = vector.shape_cast %swap3A_298 : vector<1x16xf32> to vector<16xf32>
      %swap3A_300 = vector.shape_cast %mul3A_293 : vector<16xf32> to vector<1x16xf32>
      tpu.vector_store %arg9[%swap3A_296, %swap3A_297], %swap3A_300 {strides = array<i32>} : memref<512x128xf32, #tpu.memory_space<vmem>>, vector<1x16xf32>,
      %add3A_301 = arith.constant 0 : i32
      %add3A_302 = arith.addi %add3A_217, %add3A_301 : i32
      %get3A_303 = arith.index_cast %add3A_302 : i32 to index
      %get3A_304 = arith.constant 96 : index
      %get3A_305 = tpu.vector_load %arg9[%get3A_303, %get3A_304] {strides = array<i32>} : memref<512x128xf32, #tpu.memory_space<vmem>>, vector<1x16xf32>,
      %get3A_306 = vector.shape_cast %get3A_305 : vector<1x16xf32> to vector<16xf32>
      %mul3A_307 = arith.mulf %get3A_306, %get3A_155 : vector<16xf32>
      %add3A_308 = arith.constant 0 : i32
      %add3A_309 = arith.addi %add3A_217, %add3A_308 : i32
      %swap3A_310 = arith.index_cast %add3A_309 : i32 to index
      %swap3A_311 = arith.constant 96 : index
      %swap3A_312 = tpu.vector_load %arg9[%swap3A_310, %swap3A_311] {strides = array<i32>} : memref<512x128xf32, #tpu.memory_space<vmem>>, vector<1x16xf32>,
      %swap3A_313 = vector.shape_cast %swap3A_312 : vector<1x16xf32> to vector<16xf32>
      %swap3A_314 = vector.shape_cast %mul3A_307 : vector<16xf32> to vector<1x16xf32>
      tpu.vector_store %arg9[%swap3A_310, %swap3A_311], %swap3A_314 {strides = array<i32>} : memref<512x128xf32, #tpu.memory_space<vmem>>, vector<1x16xf32>,
      %add3A_315 = arith.constant 0 : i32
      %add3A_316 = arith.addi %add3A_217, %add3A_315 : i32
      %get3A_317 = arith.index_cast %add3A_316 : i32 to index
      %get3A_318 = arith.constant 112 : index
      %get3A_319 = tpu.vector_load %arg9[%get3A_317, %get3A_318] {strides = array<i32>} : memref<512x128xf32, #tpu.memory_space<vmem>>, vector<1x16xf32>,
      %get3A_320 = vector.shape_cast %get3A_319 : vector<1x16xf32> to vector<16xf32>
      %mul3A_321 = arith.mulf %get3A_320, %get3A_155 : vector<16xf32>
      %add3A_322 = arith.constant 0 : i32
      %add3A_323 = arith.addi %add3A_217, %add3A_322 : i32
      %swap3A_324 = arith.index_cast %add3A_323 : i32 to index
      %swap3A_325 = arith.constant 112 : index
      %swap3A_326 = tpu.vector_load %arg9[%swap3A_324, %swap3A_325] {strides = array<i32>} : memref<512x128xf32, #tpu.memory_space<vmem>>, vector<1x16xf32>,
      %swap3A_327 = vector.shape_cast %swap3A_326 : vector<1x16xf32> to vector<16xf32>
      %swap3A_328 = vector.shape_cast %mul3A_321 : vector<16xf32> to vector<1x16xf32>
      tpu.vector_store %arg9[%swap3A_324, %swap3A_325], %swap3A_328 {strides = array<i32>} : memref<512x128xf32, #tpu.memory_space<vmem>>, vector<1x16xf32>,
      %add3A_329 = arith.constant 1 : i32
      %add3A_330 = arith.addi %add3A_217, %add3A_329 : i32
      %get3A_331 = arith.index_cast %add3A_330 : i32 to index
      %get3A_332 = arith.constant 0 : index
      %get3A_333 = tpu.vector_load %arg9[%get3A_331, %get3A_332] {strides = array<i32>} : memref<512x128xf32, #tpu.memory_space<vmem>>, vector<1x16xf32>,
      %get3A_334 = vector.shape_cast %get3A_333 : vector<1x16xf32> to vector<16xf32>
      %mul3A_335 = arith.mulf %get3A_334, %get3A_155 : vector<16xf32>
      %add3A_336 = arith.constant 1 : i32
      %add3A_337 = arith.addi %add3A_217, %add3A_336 : i32
      %swap3A_338 = arith.index_cast %add3A_337 : i32 to index
      %swap3A_339 = arith.constant 0 : index
      %swap3A_340 = tpu.vector_load %arg9[%swap3A_338, %swap3A_339] {strides = array<i32>} : memref<512x128xf32, #tpu.memory_space<vmem>>, vector<1x16xf32>,
      %swap3A_341 = vector.shape_cast %swap3A_340 : vector<1x16xf32> to vector<16xf32>
      %swap3A_342 = vector.shape_cast %mul3A_335 : vector<16xf32> to vector<1x16xf32>
      tpu.vector_store %arg9[%swap3A_338, %swap3A_339], %swap3A_342 {strides = array<i32>} : memref<512x128xf32, #tpu.memory_space<vmem>>, vector<1x16xf32>,
      %add3A_343 = arith.constant 1 : i32
      %add3A_344 = arith.addi %add3A_217, %add3A_343 : i32
      %get3A_345 = arith.index_cast %add3A_344 : i32 to index
      %get3A_346 = arith.constant 16 : index
      %get3A_347 = tpu.vector_load %arg9[%get3A_345, %get3A_346] {strides = array<i32>} : memref<512x128xf32, #tpu.memory_space<vmem>>, vector<1x16xf32>,
      %get3A_348 = vector.shape_cast %get3A_347 : vector<1x16xf32> to vector<16xf32>
      %mul3A_349 = arith.mulf %get3A_348, %get3A_155 : vector<16xf32>
      %add3A_350 = arith.constant 1 : i32
      %add3A_351 = arith.addi %add3A_217, %add3A_350 : i32
      %swap3A_352 = arith.index_cast %add3A_351 : i32 to index
      %swap3A_353 = arith.constant 16 : index
      %swap3A_354 = tpu.vector_load %arg9[%swap3A_352, %swap3A_353] {strides = array<i32>} : memref<512x128xf32, #tpu.memory_space<vmem>>, vector<1x16xf32>,
      %swap3A_355 = vector.shape_cast %swap3A_354 : vector<1x16xf32> to vector<16xf32>
      %swap3A_356 = vector.shape_cast %mul3A_349 : vector<16xf32> to vector<1x16xf32>
      tpu.vector_store %arg9[%swap3A_352, %swap3A_353], %swap3A_356 {strides = array<i32>} : memref<512x128xf32, #tpu.memory_space<vmem>>, vector<1x16xf32>,
      %add3A_357 = arith.constant 1 : i32
      %add3A_358 = arith.addi %add3A_217, %add3A_357 : i32
      %get3A_359 = arith.index_cast %add3A_358 : i32 to index
      %get3A_360 = arith.constant 32 : index
      %get3A_361 = tpu.vector_load %arg9[%get3A_359, %get3A_360] {strides = array<i32>} : memref<512x128xf32, #tpu.memory_space<vmem>>, vector<1x16xf32>,
      %get3A_362 = vector.shape_cast %get3A_361 : vector<1x16xf32> to vector<16xf32>
      %mul3A_363 = arith.mulf %get3A_362, %get3A_155 : vector<16xf32>
      %add3A_364 = arith.constant 1 : i32
      %add3A_365 = arith.addi %add3A_217, %add3A_364 : i32
      %swap3A_366 = arith.index_cast %add3A_365 : i32 to index
      %swap3A_367 = arith.constant 32 : index
      %swap3A_368 = tpu.vector_load %arg9[%swap3A_366, %swap3A_367] {strides = array<i32>} : memref<512x128xf32, #tpu.memory_space<vmem>>, vector<1x16xf32>,
      %swap3A_369 = vector.shape_cast %swap3A_368 : vector<1x16xf32> to vector<16xf32>
      %swap3A_370 = vector.shape_cast %mul3A_363 : vector<16xf32> to vector<1x16xf32>
      tpu.vector_store %arg9[%swap3A_366, %swap3A_367], %swap3A_370 {strides = array<i32>} : memref<512x128xf32, #tpu.memory_space<vmem>>, vector<1x16xf32>,
      %add3A_371 = arith.constant 1 : i32
      %add3A_372 = arith.addi %add3A_217, %add3A_371 : i32
      %get3A_373 = arith.index_cast %add3A_372 : i32 to index
      %get3A_374 = arith.constant 48 : index
      %get3A_375 = tpu.vector_load %arg9[%get3A_373, %get3A_374] {strides = array<i32>} : memref<512x128xf32, #tpu.memory_space<vmem>>, vector<1x16xf32>,
      %get3A_376 = vector.shape_cast %get3A_375 : vector<1x16xf32> to vector<16xf32>
      %mul3A_377 = arith.mulf %get3A_376, %get3A_155 : vector<16xf32>
      %add3A_378 = arith.constant 1 : i32
      %add3A_379 = arith.addi %add3A_217, %add3A_378 : i32
      %swap3A_380 = arith.index_cast %add3A_379 : i32 to index
      %swap3A_381 = arith.constant 48 : index
      %swap3A_382 = tpu.vector_load %arg9[%swap3A_380, %swap3A_381] {strides = array<i32>} : memref<512x128xf32, #tpu.memory_space<vmem>>, vector<1x16xf32>,
      %swap3A_383 = vector.shape_cast %swap3A_382 : vector<1x16xf32> to vector<16xf32>
      %swap3A_384 = vector.shape_cast %mul3A_377 : vector<16xf32> to vector<1x16xf32>
      tpu.vector_store %arg9[%swap3A_380, %swap3A_381], %swap3A_384 {strides = array<i32>} : memref<512x128xf32, #tpu.memory_space<vmem>>, vector<1x16xf32>,
      %add3A_385 = arith.constant 1 : i32
      %add3A_386 = arith.addi %add3A_217, %add3A_385 : i32
      %get3A_387 = arith.index_cast %add3A_386 : i32 to index
      %get3A_388 = arith.constant 64 : index
      %get3A_389 = tpu.vector_load %arg9[%get3A_387, %get3A_388] {strides = array<i32>} : memref<512x128xf32, #tpu.memory_space<vmem>>, vector<1x16xf32>,
      %get3A_390 = vector.shape_cast %get3A_389 : vector<1x16xf32> to vector<16xf32>
      %mul3A_391 = arith.mulf %get3A_390, %get3A_155 : vector<16xf32>
      %add3A_392 = arith.constant 1 : i32
      %add3A_393 = arith.addi %add3A_217, %add3A_392 : i32
      %swap3A_394 = arith.index_cast %add3A_393 : i32 to index
      %swap3A_395 = arith.constant 64 : index
      %swap3A_396 = tpu.vector_load %arg9[%swap3A_394, %swap3A_395] {strides = array<i32>} : memref<512x128xf32, #tpu.memory_space<vmem>>, vector<1x16xf32>,
      %swap3A_397 = vector.shape_cast %swap3A_396 : vector<1x16xf32> to vector<16xf32>
      %swap3A_398 = vector.shape_cast %mul3A_391 : vector<16xf32> to vector<1x16xf32>
      tpu.vector_store %arg9[%swap3A_394, %swap3A_395], %swap3A_398 {strides = array<i32>} : memref<512x128xf32, #tpu.memory_space<vmem>>, vector<1x16xf32>,
      %add3A_399 = arith.constant 1 : i32
      %add3A_400 = arith.addi %add3A_217, %add3A_399 : i32
      %get3A_401 = arith.index_cast %add3A_400 : i32 to index
      %get3A_402 = arith.constant 80 : index
      %get3A_403 = tpu.vector_load %arg9[%get3A_401, %get3A_402] {strides = array<i32>} : memref<512x128xf32, #tpu.memory_space<vmem>>, vector<1x16xf32>,
      %get3A_404 = vector.shape_cast %get3A_403 : vector<1x16xf32> to vector<16xf32>
      %mul3A_405 = arith.mulf %get3A_404, %get3A_155 : vector<16xf32>
      %add3A_406 = arith.constant 1 : i32
      %add3A_407 = arith.addi %add3A_217, %add3A_406 : i32
      %swap3A_408 = arith.index_cast %add3A_407 : i32 to index
      %swap3A_409 = arith.constant 80 : index
      %swap3A_410 = tpu.vector_load %arg9[%swap3A_408, %swap3A_409] {strides = array<i32>} : memref<512x128xf32, #tpu.memory_space<vmem>>, vector<1x16xf32>,
      %swap3A_411 = vector.shape_cast %swap3A_410 : vector<1x16xf32> to vector<16xf32>
      %swap3A_412 = vector.shape_cast %mul3A_405 : vector<16xf32> to vector<1x16xf32>
      tpu.vector_store %arg9[%swap3A_408, %swap3A_409], %swap3A_412 {strides = array<i32>} : memref<512x128xf32, #tpu.memory_space<vmem>>, vector<1x16xf32>,
      %add3A_413 = arith.constant 1 : i32
      %add3A_414 = arith.addi %add3A_217, %add3A_413 : i32
      %get3A_415 = arith.index_cast %add3A_414 : i32 to index
      %get3A_416 = arith.constant 96 : index
      %get3A_417 = tpu.vector_load %arg9[%get3A_415, %get3A_416] {strides = array<i32>} : memref<512x128xf32, #tpu.memory_space<vmem>>, vector<1x16xf32>,
      %get3A_418 = vector.shape_cast %get3A_417 : vector<1x16xf32> to vector<16xf32>
      %mul3A_419 = arith.mulf %get3A_418, %get3A_155 : vector<16xf32>
      %add3A_420 = arith.constant 1 : i32
      %add3A_421 = arith.addi %add3A_217, %add3A_420 : i32
      %swap3A_422 = arith.index_cast %add3A_421 : i32 to index
      %swap3A_423 = arith.constant 96 : index
      %swap3A_424 = tpu.vector_load %arg9[%swap3A_422, %swap3A_423] {strides = array<i32>} : memref<512x128xf32, #tpu.memory_space<vmem>>, vector<1x16xf32>,
      %swap3A_425 = vector.shape_cast %swap3A_424 : vector<1x16xf32> to vector<16xf32>
      %swap3A_426 = vector.shape_cast %mul3A_419 : vector<16xf32> to vector<1x16xf32>
      tpu.vector_store %arg9[%swap3A_422, %swap3A_423], %swap3A_426 {strides = array<i32>} : memref<512x128xf32, #tpu.memory_space<vmem>>, vector<1x16xf32>,
      %add3A_427 = arith.constant 1 : i32
      %add3A_428 = arith.addi %add3A_217, %add3A_427 : i32
      %get3A_429 = arith.index_cast %add3A_428 : i32 to index
      %get3A_430 = arith.constant 112 : index
      %get3A_431 = tpu.vector_load %arg9[%get3A_429, %get3A_430] {strides = array<i32>} : memref<512x128xf32, #tpu.memory_space<vmem>>, vector<1x16xf32>,
      %get3A_432 = vector.shape_cast %get3A_431 : vector<1x16xf32> to vector<16xf32>
      %mul3A_433 = arith.mulf %get3A_432, %get3A_155 : vector<16xf32>
      %add3A_434 = arith.constant 1 : i32
      %add3A_435 = arith.addi %add3A_217, %add3A_434 : i32
      %swap3A_436 = arith.index_cast %add3A_435 : i32 to index
      %swap3A_437 = arith.constant 112 : index
      %swap3A_438 = tpu.vector_load %arg9[%swap3A_436, %swap3A_437] {strides = array<i32>} : memref<512x128xf32, #tpu.memory_space<vmem>>, vector<1x16xf32>,
      %swap3A_439 = vector.shape_cast %swap3A_438 : vector<1x16xf32> to vector<16xf32>
      %swap3A_440 = vector.shape_cast %mul3A_433 : vector<16xf32> to vector<1x16xf32>
      tpu.vector_store %arg9[%swap3A_436, %swap3A_437], %swap3A_440 {strides = array<i32>} : memref<512x128xf32, #tpu.memory_space<vmem>>, vector<1x16xf32>,
    }
    %scan3A_161 = arith.constant 64 : i32
    %dma_wait3A_162 = arith.constant 384 : i32
    %dma_wait3A_163 = arith.constant 0 : i32
    %dma_wait3A_164 = tpu.memref_slice %arg9[%dma_wait3A_162, %dma_wait3A_163] : memref<512x128xf32, #tpu.memory_space<vmem>> -> memref<128x128xf32, #tpu.memory_space<vmem>>
    %dma_wait3A_165 = arith.constant 384 : i32
    %dma_wait3A_166 = tpu.memref_slice %arg8[%dma_wait3A_165] : memref<512xi32, #tpu.memory_space<vmem>> -> memref<128xi32, #tpu.memory_space<vmem>>
    %dma_wait3A_167 = arith.constant 0 : i32
    %dma_wait3A_168 = arith.constant 0 : i32
    %dma_wait3A_169 = tpu.memref_slice %arg5[%dma_wait3A_167, %dma_wait3A_168] : memref<100000x128xf32, #tpu.memory_space<hbm>> -> memref<100000x128xf32, #tpu.memory_space<hbm>>
    tpu.wait_indirect_dma semaphore(%arg14 : memref<!tpu.dma_semaphore, #tpu.memory_space<semaphore_mem>>) src(%dma_wait3A_169 : memref<100000x128xf32, #tpu.memory_space<hbm>>) dst(%dma_wait3A_164 : memref<128x128xf32, #tpu.memory_space<vmem>>)
    %get3A_170 = arith.constant 1 : i32
    %get3A_171 = arith.index_cast %get3A_170 : i32 to index
    %get3A_172 = arith.constant 0 : index
    %get3A_173 = tpu.vector_load %arg10[%get3A_171, %get3A_172] {strides = array<i32>} : memref<2x16xf32, #tpu.memory_space<vmem>>, vector<1x16xf32>,
    %get3A_174 = vector.shape_cast %get3A_173 : vector<1x16xf32> to vector<16xf32>
    %scan3A_175 = arith.constant 0 : i32
    %scan3A_176 = arith.constant 0 : i32
    %scan3A_177 = arith.constant 64 : i32
    %scan3A_178 = arith.addi %scan3A_176, %scan3A_177 : i32
    %scan3A_179 = arith.constant 1 : i32
    scf.for %scan3A_213 = %scan3A_176 to %scan3A_178 step %scan3A_179  : i32 {
      %mul3A_214 = arith.constant 2 : i32
      %mul3A_215 = arith.muli %scan3A_213, %mul3A_214 : i32
      %add3A_216 = arith.constant 384 : i32
      %add3A_217 = arith.addi %add3A_216, %mul3A_215 : i32
      %add3A_218 = arith.constant 0 : i32
      %add3A_219 = arith.addi %add3A_217, %add3A_218 : i32
      %get3A_220 = arith.index_cast %add3A_219 : i32 to index
      %get3A_221 = arith.constant 0 : index
      %get3A_222 = tpu.vector_load %arg9[%get3A_220, %get3A_221] {strides = array<i32>} : memref<512x128xf32, #tpu.memory_space<vmem>>, vector<1x16xf32>,
      %get3A_223 = vector.shape_cast %get3A_222 : vector<1x16xf32> to vector<16xf32>
      %mul3A_224 = arith.mulf %get3A_223, %get3A_174 : vector<16xf32>
      %add3A_225 = arith.constant 0 : i32
      %add3A_226 = arith.addi %add3A_217, %add3A_225 : i32
      %swap3A = arith.index_cast %add3A_226 : i32 to index
      %swap3A_227 = arith.constant 0 : index
      %swap3A_228 = tpu.vector_load %arg9[%swap3A, %swap3A_227] {strides = array<i32>} : memref<512x128xf32, #tpu.memory_space<vmem>>, vector<1x16xf32>,
      %swap3A_229 = vector.shape_cast %swap3A_228 : vector<1x16xf32> to vector<16xf32>
      %swap3A_230 = vector.shape_cast %mul3A_224 : vector<16xf32> to vector<1x16xf32>
      tpu.vector_store %arg9[%swap3A, %swap3A_227], %swap3A_230 {strides = array<i32>} : memref<512x128xf32, #tpu.memory_space<vmem>>, vector<1x16xf32>,
      %add3A_231 = arith.constant 0 : i32
      %add3A_232 = arith.addi %add3A_217, %add3A_231 : i32
      %get3A_233 = arith.index_cast %add3A_232 : i32 to index
      %get3A_234 = arith.constant 16 : index
      %get3A_235 = tpu.vector_load %arg9[%get3A_233, %get3A_234] {strides = array<i32>} : memref<512x128xf32, #tpu.memory_space<vmem>>, vector<1x16xf32>,
      %get3A_236 = vector.shape_cast %get3A_235 : vector<1x16xf32> to vector<16xf32>
      %mul3A_237 = arith.mulf %get3A_236, %get3A_174 : vector<16xf32>
      %add3A_238 = arith.constant 0 : i32
      %add3A_239 = arith.addi %add3A_217, %add3A_238 : i32
      %swap3A_240 = arith.index_cast %add3A_239 : i32 to index
      %swap3A_241 = arith.constant 16 : index
      %swap3A_242 = tpu.vector_load %arg9[%swap3A_240, %swap3A_241] {strides = array<i32>} : memref<512x128xf32, #tpu.memory_space<vmem>>, vector<1x16xf32>,
      %swap3A_243 = vector.shape_cast %swap3A_242 : vector<1x16xf32> to vector<16xf32>
      %swap3A_244 = vector.shape_cast %mul3A_237 : vector<16xf32> to vector<1x16xf32>
      tpu.vector_store %arg9[%swap3A_240, %swap3A_241], %swap3A_244 {strides = array<i32>} : memref<512x128xf32, #tpu.memory_space<vmem>>, vector<1x16xf32>,
      %add3A_245 = arith.constant 0 : i32
      %add3A_246 = arith.addi %add3A_217, %add3A_245 : i32
      %get3A_247 = arith.index_cast %add3A_246 : i32 to index
      %get3A_248 = arith.constant 32 : index
      %get3A_249 = tpu.vector_load %arg9[%get3A_247, %get3A_248] {strides = array<i32>} : memref<512x128xf32, #tpu.memory_space<vmem>>, vector<1x16xf32>,
      %get3A_250 = vector.shape_cast %get3A_249 : vector<1x16xf32> to vector<16xf32>
      %mul3A_251 = arith.mulf %get3A_250, %get3A_174 : vector<16xf32>
      %add3A_252 = arith.constant 0 : i32
      %add3A_253 = arith.addi %add3A_217, %add3A_252 : i32
      %swap3A_254 = arith.index_cast %add3A_253 : i32 to index
      %swap3A_255 = arith.constant 32 : index
      %swap3A_256 = tpu.vector_load %arg9[%swap3A_254, %swap3A_255] {strides = array<i32>} : memref<512x128xf32, #tpu.memory_space<vmem>>, vector<1x16xf32>,
      %swap3A_257 = vector.shape_cast %swap3A_256 : vector<1x16xf32> to vector<16xf32>
      %swap3A_258 = vector.shape_cast %mul3A_251 : vector<16xf32> to vector<1x16xf32>
      tpu.vector_store %arg9[%swap3A_254, %swap3A_255], %swap3A_258 {strides = array<i32>} : memref<512x128xf32, #tpu.memory_space<vmem>>, vector<1x16xf32>,
      %add3A_259 = arith.constant 0 : i32
      %add3A_260 = arith.addi %add3A_217, %add3A_259 : i32
      %get3A_261 = arith.index_cast %add3A_260 : i32 to index
      %get3A_262 = arith.constant 48 : index
      %get3A_263 = tpu.vector_load %arg9[%get3A_261, %get3A_262] {strides = array<i32>} : memref<512x128xf32, #tpu.memory_space<vmem>>, vector<1x16xf32>,
      %get3A_264 = vector.shape_cast %get3A_263 : vector<1x16xf32> to vector<16xf32>
      %mul3A_265 = arith.mulf %get3A_264, %get3A_174 : vector<16xf32>
      %add3A_266 = arith.constant 0 : i32
      %add3A_267 = arith.addi %add3A_217, %add3A_266 : i32
      %swap3A_268 = arith.index_cast %add3A_267 : i32 to index
      %swap3A_269 = arith.constant 48 : index
      %swap3A_270 = tpu.vector_load %arg9[%swap3A_268, %swap3A_269] {strides = array<i32>} : memref<512x128xf32, #tpu.memory_space<vmem>>, vector<1x16xf32>,
      %swap3A_271 = vector.shape_cast %swap3A_270 : vector<1x16xf32> to vector<16xf32>
      %swap3A_272 = vector.shape_cast %mul3A_265 : vector<16xf32> to vector<1x16xf32>
      tpu.vector_store %arg9[%swap3A_268, %swap3A_269], %swap3A_272 {strides = array<i32>} : memref<512x128xf32, #tpu.memory_space<vmem>>, vector<1x16xf32>,
      %add3A_273 = arith.constant 0 : i32
      %add3A_274 = arith.addi %add3A_217, %add3A_273 : i32
      %get3A_275 = arith.index_cast %add3A_274 : i32 to index
      %get3A_276 = arith.constant 64 : index
      %get3A_277 = tpu.vector_load %arg9[%get3A_275, %get3A_276] {strides = array<i32>} : memref<512x128xf32, #tpu.memory_space<vmem>>, vector<1x16xf32>,
      %get3A_278 = vector.shape_cast %get3A_277 : vector<1x16xf32> to vector<16xf32>
      %mul3A_279 = arith.mulf %get3A_278, %get3A_174 : vector<16xf32>
      %add3A_280 = arith.constant 0 : i32
      %add3A_281 = arith.addi %add3A_217, %add3A_280 : i32
      %swap3A_282 = arith.index_cast %add3A_281 : i32 to index
      %swap3A_283 = arith.constant 64 : index
      %swap3A_284 = tpu.vector_load %arg9[%swap3A_282, %swap3A_283] {strides = array<i32>} : memref<512x128xf32, #tpu.memory_space<vmem>>, vector<1x16xf32>,
      %swap3A_285 = vector.shape_cast %swap3A_284 : vector<1x16xf32> to vector<16xf32>
      %swap3A_286 = vector.shape_cast %mul3A_279 : vector<16xf32> to vector<1x16xf32>
      tpu.vector_store %arg9[%swap3A_282, %swap3A_283], %swap3A_286 {strides = array<i32>} : memref<512x128xf32, #tpu.memory_space<vmem>>, vector<1x16xf32>,
      %add3A_287 = arith.constant 0 : i32
      %add3A_288 = arith.addi %add3A_217, %add3A_287 : i32
      %get3A_289 = arith.index_cast %add3A_288 : i32 to index
      %get3A_290 = arith.constant 80 : index
      %get3A_291 = tpu.vector_load %arg9[%get3A_289, %get3A_290] {strides = array<i32>} : memref<512x128xf32, #tpu.memory_space<vmem>>, vector<1x16xf32>,
      %get3A_292 = vector.shape_cast %get3A_291 : vector<1x16xf32> to vector<16xf32>
      %mul3A_293 = arith.mulf %get3A_292, %get3A_174 : vector<16xf32>
      %add3A_294 = arith.constant 0 : i32
      %add3A_295 = arith.addi %add3A_217, %add3A_294 : i32
      %swap3A_296 = arith.index_cast %add3A_295 : i32 to index
      %swap3A_297 = arith.constant 80 : index
      %swap3A_298 = tpu.vector_load %arg9[%swap3A_296, %swap3A_297] {strides = array<i32>} : memref<512x128xf32, #tpu.memory_space<vmem>>, vector<1x16xf32>,
      %swap3A_299 = vector.shape_cast %swap3A_298 : vector<1x16xf32> to vector<16xf32>
      %swap3A_300 = vector.shape_cast %mul3A_293 : vector<16xf32> to vector<1x16xf32>
      tpu.vector_store %arg9[%swap3A_296, %swap3A_297], %swap3A_300 {strides = array<i32>} : memref<512x128xf32, #tpu.memory_space<vmem>>, vector<1x16xf32>,
      %add3A_301 = arith.constant 0 : i32
      %add3A_302 = arith.addi %add3A_217, %add3A_301 : i32
      %get3A_303 = arith.index_cast %add3A_302 : i32 to index
      %get3A_304 = arith.constant 96 : index
      %get3A_305 = tpu.vector_load %arg9[%get3A_303, %get3A_304] {strides = array<i32>} : memref<512x128xf32, #tpu.memory_space<vmem>>, vector<1x16xf32>,
      %get3A_306 = vector.shape_cast %get3A_305 : vector<1x16xf32> to vector<16xf32>
      %mul3A_307 = arith.mulf %get3A_306, %get3A_174 : vector<16xf32>
      %add3A_308 = arith.constant 0 : i32
      %add3A_309 = arith.addi %add3A_217, %add3A_308 : i32
      %swap3A_310 = arith.index_cast %add3A_309 : i32 to index
      %swap3A_311 = arith.constant 96 : index
      %swap3A_312 = tpu.vector_load %arg9[%swap3A_310, %swap3A_311] {strides = array<i32>} : memref<512x128xf32, #tpu.memory_space<vmem>>, vector<1x16xf32>,
      %swap3A_313 = vector.shape_cast %swap3A_312 : vector<1x16xf32> to vector<16xf32>
      %swap3A_314 = vector.shape_cast %mul3A_307 : vector<16xf32> to vector<1x16xf32>
      tpu.vector_store %arg9[%swap3A_310, %swap3A_311], %swap3A_314 {strides = array<i32>} : memref<512x128xf32, #tpu.memory_space<vmem>>, vector<1x16xf32>,
      %add3A_315 = arith.constant 0 : i32
      %add3A_316 = arith.addi %add3A_217, %add3A_315 : i32
      %get3A_317 = arith.index_cast %add3A_316 : i32 to index
      %get3A_318 = arith.constant 112 : index
      %get3A_319 = tpu.vector_load %arg9[%get3A_317, %get3A_318] {strides = array<i32>} : memref<512x128xf32, #tpu.memory_space<vmem>>, vector<1x16xf32>,
      %get3A_320 = vector.shape_cast %get3A_319 : vector<1x16xf32> to vector<16xf32>
      %mul3A_321 = arith.mulf %get3A_320, %get3A_174 : vector<16xf32>
      %add3A_322 = arith.constant 0 : i32
      %add3A_323 = arith.addi %add3A_217, %add3A_322 : i32
      %swap3A_324 = arith.index_cast %add3A_323 : i32 to index
      %swap3A_325 = arith.constant 112 : index
      %swap3A_326 = tpu.vector_load %arg9[%swap3A_324, %swap3A_325] {strides = array<i32>} : memref<512x128xf32, #tpu.memory_space<vmem>>, vector<1x16xf32>,
      %swap3A_327 = vector.shape_cast %swap3A_326 : vector<1x16xf32> to vector<16xf32>
      %swap3A_328 = vector.shape_cast %mul3A_321 : vector<16xf32> to vector<1x16xf32>
      tpu.vector_store %arg9[%swap3A_324, %swap3A_325], %swap3A_328 {strides = array<i32>} : memref<512x128xf32, #tpu.memory_space<vmem>>, vector<1x16xf32>,
      %add3A_329 = arith.constant 1 : i32
      %add3A_330 = arith.addi %add3A_217, %add3A_329 : i32
      %get3A_331 = arith.index_cast %add3A_330 : i32 to index
      %get3A_332 = arith.constant 0 : index
      %get3A_333 = tpu.vector_load %arg9[%get3A_331, %get3A_332] {strides = array<i32>} : memref<512x128xf32, #tpu.memory_space<vmem>>, vector<1x16xf32>,
      %get3A_334 = vector.shape_cast %get3A_333 : vector<1x16xf32> to vector<16xf32>
      %mul3A_335 = arith.mulf %get3A_334, %get3A_174 : vector<16xf32>
      %add3A_336 = arith.constant 1 : i32
      %add3A_337 = arith.addi %add3A_217, %add3A_336 : i32
      %swap3A_338 = arith.index_cast %add3A_337 : i32 to index
      %swap3A_339 = arith.constant 0 : index
      %swap3A_340 = tpu.vector_load %arg9[%swap3A_338, %swap3A_339] {strides = array<i32>} : memref<512x128xf32, #tpu.memory_space<vmem>>, vector<1x16xf32>,
      %swap3A_341 = vector.shape_cast %swap3A_340 : vector<1x16xf32> to vector<16xf32>
      %swap3A_342 = vector.shape_cast %mul3A_335 : vector<16xf32> to vector<1x16xf32>
      tpu.vector_store %arg9[%swap3A_338, %swap3A_339], %swap3A_342 {strides = array<i32>} : memref<512x128xf32, #tpu.memory_space<vmem>>, vector<1x16xf32>,
      %add3A_343 = arith.constant 1 : i32
      %add3A_344 = arith.addi %add3A_217, %add3A_343 : i32
      %get3A_345 = arith.index_cast %add3A_344 : i32 to index
      %get3A_346 = arith.constant 16 : index
      %get3A_347 = tpu.vector_load %arg9[%get3A_345, %get3A_346] {strides = array<i32>} : memref<512x128xf32, #tpu.memory_space<vmem>>, vector<1x16xf32>,
      %get3A_348 = vector.shape_cast %get3A_347 : vector<1x16xf32> to vector<16xf32>
      %mul3A_349 = arith.mulf %get3A_348, %get3A_174 : vector<16xf32>
      %add3A_350 = arith.constant 1 : i32
      %add3A_351 = arith.addi %add3A_217, %add3A_350 : i32
      %swap3A_352 = arith.index_cast %add3A_351 : i32 to index
      %swap3A_353 = arith.constant 16 : index
      %swap3A_354 = tpu.vector_load %arg9[%swap3A_352, %swap3A_353] {strides = array<i32>} : memref<512x128xf32, #tpu.memory_space<vmem>>, vector<1x16xf32>,
      %swap3A_355 = vector.shape_cast %swap3A_354 : vector<1x16xf32> to vector<16xf32>
      %swap3A_356 = vector.shape_cast %mul3A_349 : vector<16xf32> to vector<1x16xf32>
      tpu.vector_store %arg9[%swap3A_352, %swap3A_353], %swap3A_356 {strides = array<i32>} : memref<512x128xf32, #tpu.memory_space<vmem>>, vector<1x16xf32>,
      %add3A_357 = arith.constant 1 : i32
      %add3A_358 = arith.addi %add3A_217, %add3A_357 : i32
      %get3A_359 = arith.index_cast %add3A_358 : i32 to index
      %get3A_360 = arith.constant 32 : index
      %get3A_361 = tpu.vector_load %arg9[%get3A_359, %get3A_360] {strides = array<i32>} : memref<512x128xf32, #tpu.memory_space<vmem>>, vector<1x16xf32>,
      %get3A_362 = vector.shape_cast %get3A_361 : vector<1x16xf32> to vector<16xf32>
      %mul3A_363 = arith.mulf %get3A_362, %get3A_174 : vector<16xf32>
      %add3A_364 = arith.constant 1 : i32
      %add3A_365 = arith.addi %add3A_217, %add3A_364 : i32
      %swap3A_366 = arith.index_cast %add3A_365 : i32 to index
      %swap3A_367 = arith.constant 32 : index
      %swap3A_368 = tpu.vector_load %arg9[%swap3A_366, %swap3A_367] {strides = array<i32>} : memref<512x128xf32, #tpu.memory_space<vmem>>, vector<1x16xf32>,
      %swap3A_369 = vector.shape_cast %swap3A_368 : vector<1x16xf32> to vector<16xf32>
      %swap3A_370 = vector.shape_cast %mul3A_363 : vector<16xf32> to vector<1x16xf32>
      tpu.vector_store %arg9[%swap3A_366, %swap3A_367], %swap3A_370 {strides = array<i32>} : memref<512x128xf32, #tpu.memory_space<vmem>>, vector<1x16xf32>,
      %add3A_371 = arith.constant 1 : i32
      %add3A_372 = arith.addi %add3A_217, %add3A_371 : i32
      %get3A_373 = arith.index_cast %add3A_372 : i32 to index
      %get3A_374 = arith.constant 48 : index
      %get3A_375 = tpu.vector_load %arg9[%get3A_373, %get3A_374] {strides = array<i32>} : memref<512x128xf32, #tpu.memory_space<vmem>>, vector<1x16xf32>,
      %get3A_376 = vector.shape_cast %get3A_375 : vector<1x16xf32> to vector<16xf32>
      %mul3A_377 = arith.mulf %get3A_376, %get3A_174 : vector<16xf32>
      %add3A_378 = arith.constant 1 : i32
      %add3A_379 = arith.addi %add3A_217, %add3A_378 : i32
      %swap3A_380 = arith.index_cast %add3A_379 : i32 to index
      %swap3A_381 = arith.constant 48 : index
      %swap3A_382 = tpu.vector_load %arg9[%swap3A_380, %swap3A_381] {strides = array<i32>} : memref<512x128xf32, #tpu.memory_space<vmem>>, vector<1x16xf32>,
      %swap3A_383 = vector.shape_cast %swap3A_382 : vector<1x16xf32> to vector<16xf32>
      %swap3A_384 = vector.shape_cast %mul3A_377 : vector<16xf32> to vector<1x16xf32>
      tpu.vector_store %arg9[%swap3A_380, %swap3A_381], %swap3A_384 {strides = array<i32>} : memref<512x128xf32, #tpu.memory_space<vmem>>, vector<1x16xf32>,
      %add3A_385 = arith.constant 1 : i32
      %add3A_386 = arith.addi %add3A_217, %add3A_385 : i32
      %get3A_387 = arith.index_cast %add3A_386 : i32 to index
      %get3A_388 = arith.constant 64 : index
      %get3A_389 = tpu.vector_load %arg9[%get3A_387, %get3A_388] {strides = array<i32>} : memref<512x128xf32, #tpu.memory_space<vmem>>, vector<1x16xf32>,
      %get3A_390 = vector.shape_cast %get3A_389 : vector<1x16xf32> to vector<16xf32>
      %mul3A_391 = arith.mulf %get3A_390, %get3A_174 : vector<16xf32>
      %add3A_392 = arith.constant 1 : i32
      %add3A_393 = arith.addi %add3A_217, %add3A_392 : i32
      %swap3A_394 = arith.index_cast %add3A_393 : i32 to index
      %swap3A_395 = arith.constant 64 : index
      %swap3A_396 = tpu.vector_load %arg9[%swap3A_394, %swap3A_395] {strides = array<i32>} : memref<512x128xf32, #tpu.memory_space<vmem>>, vector<1x16xf32>,
      %swap3A_397 = vector.shape_cast %swap3A_396 : vector<1x16xf32> to vector<16xf32>
      %swap3A_398 = vector.shape_cast %mul3A_391 : vector<16xf32> to vector<1x16xf32>
      tpu.vector_store %arg9[%swap3A_394, %swap3A_395], %swap3A_398 {strides = array<i32>} : memref<512x128xf32, #tpu.memory_space<vmem>>, vector<1x16xf32>,
      %add3A_399 = arith.constant 1 : i32
      %add3A_400 = arith.addi %add3A_217, %add3A_399 : i32
      %get3A_401 = arith.index_cast %add3A_400 : i32 to index
      %get3A_402 = arith.constant 80 : index
      %get3A_403 = tpu.vector_load %arg9[%get3A_401, %get3A_402] {strides = array<i32>} : memref<512x128xf32, #tpu.memory_space<vmem>>, vector<1x16xf32>,
      %get3A_404 = vector.shape_cast %get3A_403 : vector<1x16xf32> to vector<16xf32>
      %mul3A_405 = arith.mulf %get3A_404, %get3A_174 : vector<16xf32>
      %add3A_406 = arith.constant 1 : i32
      %add3A_407 = arith.addi %add3A_217, %add3A_406 : i32
      %swap3A_408 = arith.index_cast %add3A_407 : i32 to index
      %swap3A_409 = arith.constant 80 : index
      %swap3A_410 = tpu.vector_load %arg9[%swap3A_408, %swap3A_409] {strides = array<i32>} : memref<512x128xf32, #tpu.memory_space<vmem>>, vector<1x16xf32>,
      %swap3A_411 = vector.shape_cast %swap3A_410 : vector<1x16xf32> to vector<16xf32>
      %swap3A_412 = vector.shape_cast %mul3A_405 : vector<16xf32> to vector<1x16xf32>
      tpu.vector_store %arg9[%swap3A_408, %swap3A_409], %swap3A_412 {strides = array<i32>} : memref<512x128xf32, #tpu.memory_space<vmem>>, vector<1x16xf32>,
      %add3A_413 = arith.constant 1 : i32
      %add3A_414 = arith.addi %add3A_217, %add3A_413 : i32
      %get3A_415 = arith.index_cast %add3A_414 : i32 to index
      %get3A_416 = arith.constant 96 : index
      %get3A_417 = tpu.vector_load %arg9[%get3A_415, %get3A_416] {strides = array<i32>} : memref<512x128xf32, #tpu.memory_space<vmem>>, vector<1x16xf32>,
      %get3A_418 = vector.shape_cast %get3A_417 : vector<1x16xf32> to vector<16xf32>
      %mul3A_419 = arith.mulf %get3A_418, %get3A_174 : vector<16xf32>
      %add3A_420 = arith.constant 1 : i32
      %add3A_421 = arith.addi %add3A_217, %add3A_420 : i32
      %swap3A_422 = arith.index_cast %add3A_421 : i32 to index
      %swap3A_423 = arith.constant 96 : index
      %swap3A_424 = tpu.vector_load %arg9[%swap3A_422, %swap3A_423] {strides = array<i32>} : memref<512x128xf32, #tpu.memory_space<vmem>>, vector<1x16xf32>,
      %swap3A_425 = vector.shape_cast %swap3A_424 : vector<1x16xf32> to vector<16xf32>
      %swap3A_426 = vector.shape_cast %mul3A_419 : vector<16xf32> to vector<1x16xf32>
      tpu.vector_store %arg9[%swap3A_422, %swap3A_423], %swap3A_426 {strides = array<i32>} : memref<512x128xf32, #tpu.memory_space<vmem>>, vector<1x16xf32>,
      %add3A_427 = arith.constant 1 : i32
      %add3A_428 = arith.addi %add3A_217, %add3A_427 : i32
      %get3A_429 = arith.index_cast %add3A_428 : i32 to index
      %get3A_430 = arith.constant 112 : index
      %get3A_431 = tpu.vector_load %arg9[%get3A_429, %get3A_430] {strides = array<i32>} : memref<512x128xf32, #tpu.memory_space<vmem>>, vector<1x16xf32>,
      %get3A_432 = vector.shape_cast %get3A_431 : vector<1x16xf32> to vector<16xf32>
      %mul3A_433 = arith.mulf %get3A_432, %get3A_174 : vector<16xf32>
      %add3A_434 = arith.constant 1 : i32
      %add3A_435 = arith.addi %add3A_217, %add3A_434 : i32
      %swap3A_436 = arith.index_cast %add3A_435 : i32 to index
      %swap3A_437 = arith.constant 112 : index
      %swap3A_438 = tpu.vector_load %arg9[%swap3A_436, %swap3A_437] {strides = array<i32>} : memref<512x128xf32, #tpu.memory_space<vmem>>, vector<1x16xf32>,
      %swap3A_439 = vector.shape_cast %swap3A_438 : vector<1x16xf32> to vector<16xf32>
      %swap3A_440 = vector.shape_cast %mul3A_433 : vector<16xf32> to vector<1x16xf32>
      tpu.vector_store %arg9[%swap3A_436, %swap3A_437], %swap3A_440 {strides = array<i32>} : memref<512x128xf32, #tpu.memory_space<vmem>>, vector<1x16xf32>,
    }
    %scan3A_180 = arith.constant 64 : i32
    %mul3A_181 = arith.constant 256 : i32
    %mul3A_182 = arith.muli %add3A, %mul3A_181 : i32
    %dma_start3A_183 = arith.constant 256 : i32
    %dma_start3A_184 = arith.constant 0 : i32
    %dma_start3A_185 = tpu.memref_slice %arg9[%dma_start3A_183, %dma_start3A_184] : memref<512x128xf32, #tpu.memory_space<vmem>> -> memref<256x128xf32, #tpu.memory_space<vmem>>
    %dma_start3A_186 = arith.constant 0 : i32
    %dma_start3A_187 = tpu.memref_slice %arg7[%mul3A_182, %dma_start3A_186] : memref<8192x128xf32, #tpu.memory_space<hbm>> -> memref<256x128xf32, #tpu.memory_space<hbm>>
    %dma_start3A_188 = arith.constant 0 : i32
    %dma_start3A_189 = tpu.memref_slice %arg7[%mul3A_182, %dma_start3A_188] : memref<8192x128xf32, #tpu.memory_space<hbm>> -> memref<256x128xf32, #tpu.memory_space<hbm>>
    %dma_start3A_190 = arith.constant 256 : i32
    %dma_start3A_191 = arith.constant 0 : i32
    %dma_start3A_192 = tpu.memref_slice %arg9[%dma_start3A_190, %dma_start3A_191] : memref<512x128xf32, #tpu.memory_space<vmem>> -> memref<256x128xf32, #tpu.memory_space<vmem>>
    tpu.enqueue_dma source(%dma_start3A_192 : memref<256x128xf32, #tpu.memory_space<vmem>>) target(%dma_start3A_189 : memref<256x128xf32, #tpu.memory_space<hbm>>) target_semaphore(%arg15 : memref<!tpu.dma_semaphore, #tpu.memory_space<semaphore_mem>>)
    %dma_wait3A_193 = arith.constant 0 : i32
    %dma_wait3A_194 = arith.constant 0 : i32
    %dma_wait3A_195 = tpu.memref_slice %arg9[%dma_wait3A_193, %dma_wait3A_194] : memref<512x128xf32, #tpu.memory_space<vmem>> -> memref<256x128xf32, #tpu.memory_space<vmem>>
    %dma_wait3A_196 = arith.constant 0 : i32
    %dma_wait3A_197 = tpu.memref_slice %arg6[%mul3A_132, %dma_wait3A_196] : memref<8192x128xf32, #tpu.memory_space<hbm>> -> memref<256x128xf32, #tpu.memory_space<hbm>>
    %dma_wait3A_198 = arith.constant 0 : i32
    %dma_wait3A_199 = tpu.memref_slice %arg6[%mul3A_132, %dma_wait3A_198] : memref<8192x128xf32, #tpu.memory_space<hbm>> -> memref<256x128xf32, #tpu.memory_space<hbm>>
    %dma_wait3A_200 = arith.constant 0 : i32
    %dma_wait3A_201 = arith.constant 0 : i32
    %dma_wait3A_202 = tpu.memref_slice %arg9[%dma_wait3A_200, %dma_wait3A_201] : memref<512x128xf32, #tpu.memory_space<vmem>> -> memref<256x128xf32, #tpu.memory_space<vmem>>
    tpu.wait_dma2 semaphore(%arg15 : memref<!tpu.dma_semaphore, #tpu.memory_space<semaphore_mem>>) src(%dma_wait3A_202 : memref<256x128xf32, #tpu.memory_space<vmem>>) dst(%dma_wait3A_199 : memref<256x128xf32, #tpu.memory_space<hbm>>)
    %dma_wait3A_203 = arith.constant 256 : i32
    %dma_wait3A_204 = arith.constant 0 : i32
    %dma_wait3A_205 = tpu.memref_slice %arg9[%dma_wait3A_203, %dma_wait3A_204] : memref<512x128xf32, #tpu.memory_space<vmem>> -> memref<256x128xf32, #tpu.memory_space<vmem>>
    %dma_wait3A_206 = arith.constant 0 : i32
    %dma_wait3A_207 = tpu.memref_slice %arg7[%mul3A_182, %dma_wait3A_206] : memref<8192x128xf32, #tpu.memory_space<hbm>> -> memref<256x128xf32, #tpu.memory_space<hbm>>
    %dma_wait3A_208 = arith.constant 0 : i32
    %dma_wait3A_209 = tpu.memref_slice %arg7[%mul3A_182, %dma_wait3A_208] : memref<8192x128xf32, #tpu.memory_space<hbm>> -> memref<256x128xf32, #tpu.memory_space<hbm>>
    %dma_wait3A_210 = arith.constant 256 : i32
    %dma_wait3A_211 = arith.constant 0 : i32
    %dma_wait3A_212 = tpu.memref_slice %arg9[%dma_wait3A_210, %dma_wait3A_211] : memref<512x128xf32, #tpu.memory_space<vmem>> -> memref<256x128xf32, #tpu.memory_space<vmem>>
    tpu.wait_dma2 semaphore(%arg15 : memref<!tpu.dma_semaphore, #tpu.memory_space<semaphore_mem>>) src(%dma_wait3A_212 : memref<256x128xf32, #tpu.memory_space<vmem>>) dst(%dma_wait3A_209 : memref<256x128xf32, #tpu.memory_space<hbm>>)
    return
  }
}

</mosaic_0001>

<sc_bundles>
// kernel: kernel.3.cloned.1.call-start
scs
__scs_entry_jumppad:
0x0: {  	(pc) =	sbr.rel $0x88, $3  }
0x1: {  	(tag) =	ssettag $0x0;
	lr =	simm.s32 $0x1  }
0x2: {  	[smem:$0x3F9C] =	sst lr;
	_ =	strace $0xD0000000  }
0x3: {  	_ = 	snop  }
0x4: {  	_ = 	snop  }
0x5: {  	_ = 	snop  }
0x6: {  	_ = 	snop  }
0x7: {  	_ = 	snop  }
__scs_overlays_trampoline_lowered:
0x8: {  	[smem:$0x3FAB] =	sst s0  }
0x9: {  	[smem:$0x3FAC] =	sst s1  }
0xa: {  	[smem:$0x3FAD] =	sst s2  }
0xb: {  	[smem:$0x3FAE] =	sst s3  }
0xc: {  	[smem:$0x3FAF] =	sst s4  }
0xd: {  	[smem:$0x3FB0] =	sst s5  }
0xe: {  	[smem:$0x3FB1] =	sst s6  }
0xf: {  	[smem:$0x3FB2] =	sst s7  }
0x10: {  	[smem:$0x3FB3] =	sst s8  }
0x11: {  	[smem:$0x3FB4] =	sst s9;
	s0 =	simm.s32 @!p0 $0x0  }
0x12: {  	s1 =	sld [smem:$0x3F9A];
	s0 =	simm.s32 @p0 $0x1  }
0x13: {  	[smem:$0x3FB5] =	sst s0;
	s0 =	simm.s32 @!p1 $0x0  }
0x14: {  	s2 =	sld [smem:$0x3F99];
	s0 =	simm.s32 @p1 $0x1  }
0x15: {  	[smem:$0x3FB6] =	sst s0;
	s0 =	simm.s32 @!p2 $0x0  }
0x16: {  	s3 =	sld [smem:$0x3FDB];
	s0 =	simm.s32 @p2 $0x1  }
0x17: {  	s4 =	simm.s32 $0x1BF5;
	[smem:$0x3FB8] =	sst s0  }
0x18: {  	s0 =	sld [smem:$0x3F9B];
	_ =	swait.ge [sflag:s4], $0x0  }
0x19: {  	s7 =	sld [smem:$0x3F9C]  }
0x1a: {  	s8 =	sadd.s32 $0xFFFFE003, lr  }
0x1b: {  	s9 =	sadd.s32 $0xFFFFFEF7, lr;
	s5 =	simm.s32 $0xFFFFFFFF;
	p2 =	slt.u32 s8, $0xFFFFF086  }
0x1c: {  	p1 =	slt.u32 s9, $0xF7A;
	s5 =	simm.s32 @!p2 $0x0  }
0x1d: {  	s5 =	simm.s32 @p1 $0x1;
	p0 =	seq.s32 s7, s2  }
0x1e: {  	s7 =	smul.u32 @!p0 $0xF7A, s2;
	p2 =	seq.s32 @!p0 s5, $0x0  }
0x1f: {  	s9 =	smul.u32 $0xF7A, s1;
	s8 =	simm.s32 @!p0 $0x1BF5;
	p2 =	por !p2, p0  }
0x20: {  	[sflag:s8] =	ssyncset.s32 @!p0 $0xFFFFF086;
	s6 =	sadd.s32 @!p0 s3, s7;
	s7 =	simm.s32 @!p0 $0x108  }
0x21: {  	s3 =	sadd.s32 s3, s9;
	s6 =	sadd.s32 @!p0 $0x88, s6;
	s7 =	simm.s32 @p2 $0x1082  }
0x22: {  	[simem:s7], [sflag:s8] =	dma.local @!p0 [hbm:s6], $0xF7A  }
0x23: {  	s9 =	sor.u32 $0xD0000000, s2;
	s6 =	simm.s32 $0x108;
	_ =	swait.ge @!p0 [sflag:s8], $0x0  }
0x24: {  	s3 =	sadd.s32 $0x88, s3;
	s6 =	simm.s32 @!p1 $0x1082;
	[sflag:s4] =	ssyncset.s32 $0xFFFFF086  }
0x25: {  	[simem:s6], [sflag:s4] =	dma.local [hbm:s3], $0xF7A  }
0x26: {  	[smem:$0x3F9C] =	sst s1;
	(tag) =	ssettag s2;
	_ =	strace s9  }
0x27: {  	s1 =	sld [smem:$0x3FAC]  }
0x28: {  	s2 =	sld [smem:$0x3FAD]  }
0x29: {  	s4 =	sld [smem:$0x3FAF]  }
0x2a: {  	p0 =	seq.s32 s5, $0x0;
	s5 =	sld [smem:$0x3FB0]  }
0x2b: {  	s6 =	sld [smem:$0x3FB1]  }
0x2c: {  	s7 =	sld [smem:$0x3FB2]  }
0x2d: {  	s3 =	simm.s32 $0x108;
	s8 =	sld [smem:$0x3FB3]  }
0x2e: {  	s3 =	simm.s32 @!p0 $0x1082;
	s9 =	sld [smem:$0x3FB4]  }
0x2f: {  	lr =	sadd.s32 s0, s3;
	s0 =	sld [smem:$0x3FAB]  }
0x30: {  	s3 =	sld [smem:$0x3FAE]  }
0x31: {  	[smem:$0x3FB7] =	sst s10  }
0x32: {  	s10 =	sld [smem:$0x3FB5];
	_ =	sdelay $0x3  }
0x33: {  	p0 =	seq.s32 s10, $0x1;
	s10 =	sld [smem:$0x3FB7];
	_ =	sdelay $0x3  }
0x34: {  	[smem:$0x3FB7] =	sst s10  }
0x35: {  	s10 =	sld [smem:$0x3FB6];
	_ =	sdelay $0x3  }
0x36: {  	p1 =	seq.s32 s10, $0x1;
	s10 =	sld [smem:$0x3FB7];
	_ =	sdelay $0x3  }
0x37: {  	[smem:$0x3FB7] =	sst s10  }
0x38: {  	s10 =	sld [smem:$0x3FB8]  }
0x39: {  	_ = 	snop;
	(pc) =	sbr.ind lr, $3  }
0x3a: {  	_ = 	snop  }
0x3b: {  	_ = 	snop  }
0x3c: {  	p2 =	seq.s32 s10, $0x1;
	s10 =	sld [smem:$0x3FB7]  }
0x3d: {  	_ =	shalt  }
0x3e: {  	_ =	shalt  }
0x3f: {  	_ =	shalt  }
0x40: {  	_ =	shalt  }
0x41: {  	_ =	shalt  }
0x42: {  	_ =	shalt  }
0x43: {  	_ =	shalt  }
0x44: {  	_ =	shalt  }
0x45: {  	_ =	shalt  }
0x46: {  	_ =	shalt  }
0x47: {  	_ =	shalt  }
0x48: {  	_ =	shalt  }
0x49: {  	_ =	shalt  }
0x4a: {  	_ =	shalt  }
0x4b: {  	_ =	shalt  }
0x4c: {  	_ =	shalt  }
0x4d: {  	_ =	shalt  }
0x4e: {  	_ =	shalt  }
0x4f: {  	_ =	shalt  }
0x50: {  	_ =	shalt  }
0x51: {  	_ =	shalt  }
0x52: {  	_ =	shalt  }
0x53: {  	_ =	shalt  }
0x54: {  	_ =	shalt  }
0x55: {  	_ =	shalt  }
0x56: {  	_ =	shalt  }
0x57: {  	_ =	shalt  }
0x58: {  	_ =	shalt  }
0x59: {  	_ =	shalt  }
0x5a: {  	_ =	shalt  }
0x5b: {  	_ =	shalt  }
0x5c: {  	_ =	shalt  }
0x5d: {  	_ =	shalt  }
0x5e: {  	_ =	shalt  }
0x5f: {  	_ =	shalt  }
0x60: {  	_ =	shalt  }
0x61: {  	_ =	shalt  }
0x62: {  	_ =	shalt  }
0x63: {  	_ =	shalt  }
0x64: {  	_ =	shalt  }
0x65: {  	_ =	shalt  }
0x66: {  	_ =	shalt  }
0x67: {  	_ =	shalt  }
0x68: {  	_ =	shalt  }
0x69: {  	_ =	shalt  }
0x6a: {  	_ =	shalt  }
0x6b: {  	_ =	shalt  }
0x6c: {  	_ =	shalt  }
0x6d: {  	_ =	shalt  }
0x6e: {  	_ =	shalt  }
0x6f: {  	_ =	shalt  }
0x70: {  	_ =	shalt  }
0x71: {  	_ =	shalt  }
0x72: {  	_ =	shalt  }
0x73: {  	_ =	shalt  }
0x74: {  	_ =	shalt  }
0x75: {  	_ =	shalt  }
0x76: {  	_ =	shalt  }
0x77: {  	_ =	shalt  }
0x78: {  	_ =	shalt  }
0x79: {  	_ =	shalt  }
0x7a: {  	_ =	shalt  }
0x7b: {  	_ =	shalt  }
0x7c: {  	_ =	shalt  }
0x7d: {  	_ =	shalt  }
0x7e: {  	_ =	shalt  }
0x7f: {  	_ =	shalt  }
0x80: {  	_ =	shalt  }
0x81: {  	_ =	shalt  }
0x82: {  	_ =	shalt  }
0x83: {  	_ =	shalt  }
0x84: {  	_ =	shalt  }
0x85: {  	_ =	shalt  }
0x86: {  	_ =	shalt  }
0x87: {  	_ =	shalt  }
.Lfunc_end0:
.L_simem_size_0:
called_computation_lowered:
.L_overlay_start_0:
0x88: {  	s2 =	sld [smem:$0x3FD9]  }
0x89: {  	s3 =	sld [smem:$0x3FFE];
	_ =	sdelay $0x1  }
0x8a: {  	s1 =	srdreg.scid  }
0x8b: {  	s0 =	sand.u32 $0x1, s1  }
0x8c: {  	s14 =	sshll.u32 s0, $0xA;
	s2 =	sadd.s32 s3, s2  }
0x8d: {  	s2 =	sadd.s32 s2, s14  }
0x8e: {  	[smem:$0x3FC3] =	sst s2  }
0x8f: {  	_ = 	snop  }
0x90: {  	s2 =	sld [smem:$0x3FD0]  }
0x91: {  	s15 =	sld [smem:$0x3FC9]  }
0x92: {  	s4 =	sld [smem:$0x3FC7]  }
0x93: {  	s6 =	simm.s32 $0xA;
	s7 =	simm.s32 $0x10;
	s5 =	sld [smem:$0x3FC5]  }
0x94: {  	[smem:s7], [sflag:s6] =	dma.local [hbm:s2], $0x1  }
0x95: {  	_ =	swait.eq [sflag:s6], $0x1  }
0x96: {  	[sflag:s6] =	ssyncset.done $0x0  }
0x97: {  	s16 =	sld [smem:$0x10];
	[sflag:s6] =	ssyncadd.s32 $0xFFFFFFFF  }
0x98: {  	s17 =	sld [smem:$0x11];
	(tm) =	ssettm $0x1  }
0x99: {  	s18 =	sld [smem:$0x3FFB];
	_ =	sdelay $0x3  }
0x9a: {  	_ =	strace s18  }
0x9b: {  	s7 =	sld [smem:$0x3FFC];
	_ =	sdelay $0x3  }
0x9c: {  	_ =	strace s7  }
0x9d: {  	s7 =	sld [smem:$0x3FFD];
	_ =	sdelay $0x3  }
0x9e: {  	_ =	strace s7  }
0x9f: {  	_ =	strace $0x8FFFFFFF  }
0xa0: {  	s19 =	sld [smem:$0x3FDB];
	_ =	sdelay $0x1  }
0xa1: {  	s8 =	simm.s32 $_scs_section_size  }
0xa2: {  	s9 =	simm.s32 $_size__tile_overlayer_lowered;
	s10 =	simm.s32 $_tile_overlayer_lowered  }
0xa3: {  	s22 =	simm.s32 $0x1BFF;
	s21 =	sshll.u32 s10, $0x1;
	s7 =	sadd.s32 s8, s19  }
0xa4: {  	s11 =	simm.s32 $0x0;
	s20 =	sshll.u32 s9, $0x1;
	s9 =	sadd.s32 s21, s7  }
0xa5: {  	[timem:s11], [sflag:s22] =	dma.local [hbm:s9], s20  }
0xa6: {  	_ =	swait.ge [sflag:s22], s20  }
0xa7: {  	s8 =	ssub.s32 $0x0, s20;
	[sflag:s22] =	ssyncset.done $0x0  }
0xa8: {  	[sflag:s22] =	ssyncadd.s32 s8;
	_ =	sdelay $0x1  }
0xa9: {  	s23 =	simm.s32 $0x1B8B  }
0xaa: {  	_ =	swait.ge [sflag:s23], $0x1  }
0xab: {  	[sflag:s23] =	ssyncset.done $0x0  }
0xac: {  	s25 =	simm.s32 $0x1B8E;
	s24 =	sld [smem:$0x3FFE];
	[sflag:s23] =	ssyncadd.s32 $0xFFFFFFFF  }
0xad: {  	s26 =	simm.s32 $execute0_lowered;
	[smem:$0x3FD2] =	sst s25  }
0xae: {  	s9 =	sshll.u32 s26, $0x1;
	_ =	strace $0x80000046;
	[dreg:$0x1] =	wrdreg $0xFFFFFFFF  }
0xaf: {  	s28 =	simm.s32 $_size_execute0_lowered;
	s7 =	sadd.s32 s7, s9;
	[dreg:$0x0] =	wrdreg $0x0  }
0xb0: {  	s9 =	sshll.u32 s28, $0x1;
	[dreg:$0x2] =	wrdreg s7  }
0xb1: {  	[dreg:$0x3] =	wrdreg s9  }
0xb2: {  	[dreg:$0x4] =	wrdreg $0xC0  }
0xb3: {  	_ =	task [dreg:s11], $0x5FFFF  }
0xb4: {  	[dreg:$0x1] =	wrdreg $0xFFFFFFFF  }
0xb5: {  	[dreg:$0x0] =	wrdreg $0x60  }
0xb6: {  	[dreg:$0x2] =	wrdreg s15  }
0xb7: {  	[dreg:$0x3] =	wrdreg s4  }
0xb8: {  	[dreg:$0x4] =	wrdreg s24  }
0xb9: {  	[dreg:$0x5] =	wrdreg s5  }
0xba: {  	[dreg:$0x6] =	wrdreg s16  }
0xbb: {  	[dreg:$0x7] =	wrdreg s17  }
0xbc: {  	[dreg:$0x8] =	wrdreg $0x9  }
0xbd: {  	_ =	task.clear_ibuf [dreg:s11], $0x9FFFF;
	_ =	strace $0x90000046  }
0xbe: {  	s29 =	simm.s32 $0x9;
	_ =	strace $0x80000048  }
0xbf: {  	_ =	swait.ge [sflag:s29], $0x1  }
0xc0: {  	[sflag:s29] =	ssyncadd.s32 $0xFFFFFFFF  }
0xc1: {  	_ =	strace $0x90000048  }
0xc2: {  	_ =	sfence  }
0xc3: {  	s30 =	sld [smem:$0x0];
	_ =	sdelay $0x2  }
0xc4: {  	s31 =	sshll.u32 s1, $0xD;
	s1 =	sshrl.u32 s1, $0x2  }
0xc5: {  	s3 =	sand.u32 $0x4000, s31;
	s1 =	sadd.s32 s1, s30  }
0xc6: {  	s0 =	sor.u32 s3, s0;
	s1 =	sshll.u32 s1, $0x11  }
0xc7: {  	s0 =	sor.u32 s1, s0  }
0xc8: {  	s0 =	sadd.s32 $0x8F2B, s0  }
0xc9: {  	[sflag:s0] =	ssyncadd.remote.s32 $0x1  }
0xca: {  	_ =	sfence.sel $0xFFFF  }
0xcb: {  	[dreg:$0x0] =	wrdreg $0xFFFFFFFF;
	(pc) =	sbr.abs _section_cstart, $3  }
0xcc: {  	[dreg:$0x1] =	wrdreg $0xFFFFFFFF  }
0xcd: {  	_ =	task.clear_ibuf [dreg:s11], $0x2FFFF;
	_ =	strace $0x9FFFFFFF  }
0xce: {  	(tm) =	ssettm $0x7FFFFFFF  }
0xcf: {  	_ =	shalt  }
tec
execute0_lowered:
.L_overlay_start_1:
0x0: {  	(tag) =	ssettag $0x1  }
0x1: {  	s5 =	rddreg [dreg:$0x0]  }
0x2: {  	s6 =	rddreg [dreg:$0x1]  }
0x3: {  	s4 =	rddreg [dreg:$0x2]  }
0x4: {  	s1 =	rddreg [dreg:$0x3]  }
0x5: {  	s7 =	rddreg [dreg:$0x4]  }
0x6: {  	s2 =	srdreg.scid;
	s0 =	stileid.u32  }
0x7: {  	s8 =	rddreg [dreg:$0x5];
	s3 =	simm.s32 $0x0;
	s13 =	simm.s32 $0x10200  }
0x8: {  	s14 =	simm.s32 $0x6;
	s15 =	simm.s32 $0x4200;
	s16 =	simm.s32 $0x7  }
0x9: {  	s17 =	simm.s32 $0x8200;
	s18 =	simm.s32 $0x180;
	s19 =	simm.s32 $0xC200  }
0xa: {  	s20 =	simm.s32 $0x8;
	s21 =	simm.s32 $0x1;
	s22 =	simm.s32 $0x2  }
0xb: {  	s23 =	simm.s32 $0x3;
	s24 =	simm.s32 $0x4;
	s25 =	simm.s32 $0x5  }
0xc: {  	s26 =	simm.s32 $0x0;
	s9 =	sand.u32 $0x1, s2;
	s2 =	rddreg [dreg:$0x6]  }
0xd: {  	s10 =	sshll.u32 s0, $0x1;
	[smem:$0x7FF] =	sst s3;
	s12 =	sshll.u32 s0, $0x2  }
0xe: {  	s4 =	sadd.s32 $0x800, s4;
	s10 =	sor.u32 s9, s10;
	s9 =	ssub.s32 $0x2, s9  }
0xf: {  	_ =	strace $0x80000047;
	s11 =	sshll.u32 s10, $0x7;
	s31 =	sshrl.u32 s9, $0x1  }
0x10: {  	s10 =	sshll.u32 s10, $0xC;
	s11 =	sor.u32 s12, s11;
	s9 =	ssub.s32 s9, s31  }
0x11: {  	s7 =	sadd.s32 s7, s10;
	s8 =	sadd.s32 s8, s10;
	s10 =	simm.s32 $0x80  }
0x12: {  	s12 =	simm.s32 $0x100;
	s11 =	sand.u32 $0x3B0, s11;
	s9 =	smax.u32 s9, $0x1  }
0x13: {  	s5 =	sadd.s32 s5, s11;
	s6 =	sadd.s32 s6, s11;
	s11 =	simm.s32 $0x200  }
.LBB2_1:
0x14: {  	[tilespmem:s3], [sflag:$0x6] =	stream.strided.gather [hbm4b:s5+s10], $0x100, s11, s10, $0x38;
	[tilespmem:$0x10300] =	vst v63  }
0x15: {  	_ = 	snop  }
0x16: {  	[tilespmem:s12], [sflag:$0x7] =	stream.strided.gather [hbm4b:s6+s10], $0x100, s11, s10, $0x38;
	[tilespmem:$0x10300] =	vst v63  }
0x17: {  	_ = 	snop  }
0x18: {  	[tilespmem:s13], [sflag:$0x8] =	stream.linear.gather [hbm4b:s4+s3], $0x100, $0x38;
	[tilespmem:$0x10300] =	vst v63  }
0x19: {  	_ =	swait.ge [sflag:s14], $0x100  }
0x1a: {  	[sflag:s14] =	ssyncset.done $0x0  }
0x1b: {  	[sflag:s14] =	ssyncadd.s32 $0xFFFFFF00  }
0x1c: {  	[tilespmem:s11], [sflag:$0x1] =	stream.indirect.gather [hbm4b:s1+s10], $0x80, s3, s10, $0xb8;
	[tilespmem:$0x10300] =	vst v63  }
0x1d: {  	_ = 	snop  }
0x1e: {  	[tilespmem:s15], [sflag:$0x2] =	stream.indirect.gather [hbm4b:s1+s10], $0x80, s10, s10, $0xb8;
	[tilespmem:$0x10300] =	vst v63  }
0x1f: {  	_ =	swait.ge [sflag:s16], $0x100  }
0x20: {  	[sflag:s16] =	ssyncset.done $0x0  }
0x21: {  	[sflag:s16] =	ssyncadd.s32 $0xFFFFFF00  }
0x22: {  	[tilespmem:s17], [sflag:$0x3] =	stream.indirect.gather [hbm4b:s1+s10], $0x80, s12, s10, $0xb8;
	[tilespmem:$0x10300] =	vst v63  }
0x23: {  	_ = 	snop  }
0x24: {  	[tilespmem:s19], [sflag:$0x4] =	stream.indirect.gather [hbm4b:s1+s10], $0x80, s18, s10, $0xb8;
	[tilespmem:$0x10300] =	vst v63  }
0x25: {  	_ =	swait.ge [sflag:s20], $0x100  }
0x26: {  	[sflag:s20] =	ssyncset.done $0x0  }
0x27: {  	[sflag:s20] =	ssyncadd.s32 $0xFFFFFF00  }
0x28: {  	_ =	swait.ge [sflag:s21], $0x4000  }
0x29: {  	[sflag:s21] =	ssyncset.done $0x0  }
0x2a: {  	[sflag:s21] =	ssyncadd.s32 $0xFFFFC000  }
0x2b: {  	s28 =	simm.s32 $0x0;
	v0 =	vld [tilespmem:$0x10200]  }
0x2c: {  	v1 =	vld [tilespmem:s28+$0x200]  }
0x2d: {  	v2 =	vld [tilespmem:s28+$0x210]  }
0x2e: {  	v3 =	vld [tilespmem:s28+$0x220]  }
0x2f: {  	v4 =	vld [tilespmem:s28+$0x230]  }
0x30: {  	v5 =	vld [tilespmem:s28+$0x240]  }
0x31: {  	v6 =	vld [tilespmem:s28+$0x250];
	v1 =	vmul.f32 v1, v0  }
0x32: {  	v7 =	vld [tilespmem:s28+$0x260];
	v2 =	vmul.f32 v2, v0  }
0x33: {  	v8 =	vld [tilespmem:s28+$0x270];
	[tilespmem:s28+$0x200] =	vst v1;
	v1 =	vmul.f32 v3, v0  }
0x34: {  	v9 =	vld [tilespmem:s28+$0x280];
	[tilespmem:s28+$0x210] =	vst v2;
	v2 =	vmul.f32 v4, v0  }
0x35: {  	v10 =	vld [tilespmem:s28+$0x290];
	[tilespmem:s28+$0x220] =	vst v1;
	v1 =	vmul.f32 v5, v0  }
0x36: {  	v3 =	vmul.f32 v6, v0;
	[tilespmem:s28+$0x230] =	vst v2;
	v2 =	vld [tilespmem:s28+$0x2A0]  }
0x37: {  	v4 =	vmul.f32 v7, v0;
	[tilespmem:s28+$0x240] =	vst v1;
	v1 =	vld [tilespmem:s28+$0x2B0]  }
0x38: {  	[tilespmem:s28+$0x250] =	vst v3;
	v3 =	vld [tilespmem:s28+$0x2C0];
	v5 =	vmul.f32 v8, v0  }
0x39: {  	v7 =	vmul.f32 v9, v0;
	[tilespmem:s28+$0x260] =	vst v4;
	v4 =	vld [tilespmem:s28+$0x2D0]  }
0x3a: {  	s29 =	simm.s32 $0x400;
	v6 =	vmul.f32 v10, v0;
	[tilespmem:s28+$0x270] =	vst v5;
	v5 =	vld [tilespmem:s28+$0x2E0]  }
.LBB2_2:
0x3b: {  	s30 =	sshra.s32 s29, $0x2;
	p0 =	sne.s32 s29, $0xFC00;
	[tilespmem:s28+$0x280] =	vst v7;
	v2 =	vmul.f32 v2, v0;
	v7 =	vld [tilespmem:s28+$0x2F0]  }
0x3c: {  	v8 =	vld [tilespmem:s30+$0x200];
	[tilespmem:s28+$0x290] =	vst v6;
	v1 =	vmul.f32 v1, v0  }
0x3d: {  	v6 =	vld [tilespmem:s30+$0x210];
	[tilespmem:s28+$0x2A0] =	vst v2;
	v2 =	vmul.f32 v3, v0  }
0x3e: {  	v3 =	vld [tilespmem:s30+$0x220];
	[tilespmem:s28+$0x2B0] =	vst v1;
	v1 =	vmul.f32 v4, v0  }
0x3f: {  	v4 =	vld [tilespmem:s30+$0x230];
	[tilespmem:s28+$0x2C0] =	vst v2;
	v2 =	vmul.f32 v5, v0  }
0x40: {  	v5 =	vld [tilespmem:s30+$0x240];
	[tilespmem:s28+$0x2D0] =	vst v1;
	v1 =	vmul.f32 v7, v0  }
0x41: {  	v7 =	vmul.f32 v8, v0;
	v8 =	vld [tilespmem:s30+$0x250];
	[tilespmem:s28+$0x2E0] =	vst v2  }
0x42: {  	v2 =	vmul.f32 v6, v0;
	v6 =	vld [tilespmem:s30+$0x260];
	[tilespmem:s28+$0x2F0] =	vst v1;
	s28 =	smov.u32 s30  }
0x43: {  	[tilespmem:s28+$0x200] =	vst v7;
	v1 =	vmul.f32 v3, v0;
	v3 =	vld [tilespmem:s28+$0x270]  }
0x44: {  	[tilespmem:s28+$0x210] =	vst v2;
	v2 =	vmul.f32 v4, v0;
	v4 =	vld [tilespmem:s28+$0x280]  }
0x45: {  	[tilespmem:s28+$0x220] =	vst v1;
	v1 =	vmul.f32 v5, v0;
	v5 =	vld [tilespmem:s28+$0x290]  }
.Ltmp0:
0x46: {  	[tilespmem:s28+$0x230] =	vst v2;
	v7 =	vmul.f32 v8, v0;
	v2 =	vld [tilespmem:s28+$0x2A0];
	(pc) =	sbr.rel @p0 .LBB2_2-.Ltmp0, $4  }
0x47: {  	[tilespmem:s28+$0x240] =	vst v1;
	v6 =	vmul.f32 v6, v0;
	v1 =	vld [tilespmem:s28+$0x2B0]  }
0x48: {  	[tilespmem:s28+$0x250] =	vst v7;
	v8 =	vmul.f32 v3, v0;
	v3 =	vld [tilespmem:s28+$0x2C0]  }
0x49: {  	[tilespmem:s28+$0x260] =	vst v6;
	v7 =	vmul.f32 v4, v0;
	v4 =	vld [tilespmem:s28+$0x2D0]  }
0x4a: {  	s29 =	sadd.s32 $0x400, s29;
	[tilespmem:s28+$0x270] =	vst v8;
	v6 =	vmul.f32 v5, v0;
	v5 =	vld [tilespmem:s28+$0x2E0]  }
0x4b: {  	[tilespmem:s28+$0x280] =	vst v7;
	v2 =	vmul.f32 v2, v0;
	v7 =	vld [tilespmem:s28+$0x2F0]  }
0x4c: {  	[tilespmem:s28+$0x290] =	vst v6;
	v1 =	vmul.f32 v1, v0  }
0x4d: {  	[tilespmem:s28+$0x2A0] =	vst v2;
	v2 =	vmul.f32 v3, v0  }
0x4e: {  	[tilespmem:s28+$0x2B0] =	vst v1;
	v1 =	vmul.f32 v4, v0  }
0x4f: {  	[tilespmem:s28+$0x2C0] =	vst v2;
	v2 =	vmul.f32 v5, v0  }
0x50: {  	[tilespmem:s28+$0x2D0] =	vst v1;
	v0 =	vmul.f32 v7, v0  }
0x51: {  	[tilespmem:s28+$0x2E0] =	vst v2  }
0x52: {  	[tilespmem:s28+$0x2F0] =	vst v0  }
0x53: {  	_ =	swait.ge [sflag:s22], $0x4000  }
0x54: {  	[sflag:s22] =	ssyncset.done $0x0  }
0x55: {  	[sflag:s22] =	ssyncadd.s32 $0xFFFFC000  }
0x56: {  	s28 =	simm.s32 $0x0;
	v0 =	vld [tilespmem:$0x10200]  }
0x57: {  	v1 =	vld [tilespmem:s28+$0x4200]  }
0x58: {  	v2 =	vld [tilespmem:s28+$0x4210]  }
0x59: {  	v3 =	vld [tilespmem:s28+$0x4220]  }
0x5a: {  	v4 =	vld [tilespmem:s28+$0x4230]  }
0x5b: {  	v5 =	vld [tilespmem:s28+$0x4240]  }
0x5c: {  	v6 =	vld [tilespmem:s28+$0x4250];
	v1 =	vmul.f32 v1, v0  }
0x5d: {  	v7 =	vld [tilespmem:s28+$0x4260];
	v2 =	vmul.f32 v2, v0  }
0x5e: {  	v8 =	vld [tilespmem:s28+$0x4270];
	[tilespmem:s28+$0x4200] =	vst v1;
	v1 =	vmul.f32 v3, v0  }
0x5f: {  	v9 =	vld [tilespmem:s28+$0x4280];
	[tilespmem:s28+$0x4210] =	vst v2;
	v2 =	vmul.f32 v4, v0  }
0x60: {  	v10 =	vld [tilespmem:s28+$0x4290];
	[tilespmem:s28+$0x4220] =	vst v1;
	v1 =	vmul.f32 v5, v0  }
0x61: {  	v3 =	vmul.f32 v6, v0;
	[tilespmem:s28+$0x4230] =	vst v2;
	v2 =	vld [tilespmem:s28+$0x42A0]  }
0x62: {  	v4 =	vmul.f32 v7, v0;
	[tilespmem:s28+$0x4240] =	vst v1;
	v1 =	vld [tilespmem:s28+$0x42B0]  }
0x63: {  	[tilespmem:s28+$0x4250] =	vst v3;
	v3 =	vld [tilespmem:s28+$0x42C0];
	v5 =	vmul.f32 v8, v0  }
0x64: {  	v7 =	vmul.f32 v9, v0;
	[tilespmem:s28+$0x4260] =	vst v4;
	v4 =	vld [tilespmem:s28+$0x42D0]  }
0x65: {  	s29 =	simm.s32 $0x400;
	v6 =	vmul.f32 v10, v0;
	[tilespmem:s28+$0x4270] =	vst v5;
	v5 =	vld [tilespmem:s28+$0x42E0]  }
.LBB2_4:
0x66: {  	s30 =	sshra.s32 s29, $0x2;
	p0 =	sne.s32 s29, $0xFC00;
	[tilespmem:s28+$0x4280] =	vst v7;
	v2 =	vmul.f32 v2, v0;
	v7 =	vld [tilespmem:s28+$0x42F0]  }
0x67: {  	v8 =	vld [tilespmem:s30+$0x4200];
	[tilespmem:s28+$0x4290] =	vst v6;
	v1 =	vmul.f32 v1, v0  }
0x68: {  	v6 =	vld [tilespmem:s30+$0x4210];
	[tilespmem:s28+$0x42A0] =	vst v2;
	v2 =	vmul.f32 v3, v0  }
0x69: {  	v3 =	vld [tilespmem:s30+$0x4220];
	[tilespmem:s28+$0x42B0] =	vst v1;
	v1 =	vmul.f32 v4, v0  }
0x6a: {  	v4 =	vld [tilespmem:s30+$0x4230];
	[tilespmem:s28+$0x42C0] =	vst v2;
	v2 =	vmul.f32 v5, v0  }
0x6b: {  	v5 =	vld [tilespmem:s30+$0x4240];
	[tilespmem:s28+$0x42D0] =	vst v1;
	v1 =	vmul.f32 v7, v0  }
0x6c: {  	v7 =	vmul.f32 v8, v0;
	v8 =	vld [tilespmem:s30+$0x4250];
	[tilespmem:s28+$0x42E0] =	vst v2  }
0x6d: {  	v2 =	vmul.f32 v6, v0;
	v6 =	vld [tilespmem:s30+$0x4260];
	[tilespmem:s28+$0x42F0] =	vst v1;
	s28 =	smov.u32 s30  }
0x6e: {  	[tilespmem:s28+$0x4200] =	vst v7;
	v1 =	vmul.f32 v3, v0;
	v3 =	vld [tilespmem:s28+$0x4270]  }
0x6f: {  	[tilespmem:s28+$0x4210] =	vst v2;
	v2 =	vmul.f32 v4, v0;
	v4 =	vld [tilespmem:s28+$0x4280]  }
0x70: {  	[tilespmem:s28+$0x4220] =	vst v1;
	v1 =	vmul.f32 v5, v0;
	v5 =	vld [tilespmem:s28+$0x4290]  }
.Ltmp1:
0x71: {  	[tilespmem:s28+$0x4230] =	vst v2;
	v7 =	vmul.f32 v8, v0;
	v2 =	vld [tilespmem:s28+$0x42A0];
	(pc) =	sbr.rel @p0 .LBB2_4-.Ltmp1, $4  }
0x72: {  	[tilespmem:s28+$0x4240] =	vst v1;
	v6 =	vmul.f32 v6, v0;
	v1 =	vld [tilespmem:s28+$0x42B0]  }
0x73: {  	[tilespmem:s28+$0x4250] =	vst v7;
	v8 =	vmul.f32 v3, v0;
	v3 =	vld [tilespmem:s28+$0x42C0]  }
0x74: {  	[tilespmem:s28+$0x4260] =	vst v6;
	v7 =	vmul.f32 v4, v0;
	v4 =	vld [tilespmem:s28+$0x42D0]  }
0x75: {  	s29 =	sadd.s32 $0x400, s29;
	[tilespmem:s28+$0x4270] =	vst v8;
	v6 =	vmul.f32 v5, v0;
	v5 =	vld [tilespmem:s28+$0x42E0]  }
0x76: {  	[tilespmem:s28+$0x4280] =	vst v7;
	v2 =	vmul.f32 v2, v0;
	v7 =	vld [tilespmem:s28+$0x42F0]  }
0x77: {  	[tilespmem:s28+$0x4290] =	vst v6;
	v1 =	vmul.f32 v1, v0  }
0x78: {  	[tilespmem:s28+$0x42A0] =	vst v2;
	v2 =	vmul.f32 v3, v0  }
0x79: {  	[tilespmem:s28+$0x42B0] =	vst v1;
	v1 =	vmul.f32 v4, v0  }
0x7a: {  	[tilespmem:s28+$0x42C0] =	vst v2;
	v2 =	vmul.f32 v5, v0  }
0x7b: {  	[tilespmem:s28+$0x42D0] =	vst v1;
	v0 =	vmul.f32 v7, v0  }
0x7c: {  	[tilespmem:s28+$0x42E0] =	vst v2  }
0x7d: {  	[tilespmem:s28+$0x42F0] =	vst v0;
	s28 =	simm.s32 $0x0  }
0x7e: {  	[hbm4b:s7+s28] =	stream.linear.scatter [tilespmem:s11], [sflag:$0x5], $0x8000, $0x38;
	[tilespmem:$0x10300] =	vst v63  }
0x7f: {  	_ =	swait.ge [sflag:s23], $0x4000  }
0x80: {  	[sflag:s23] =	ssyncset.done $0x0  }
0x81: {  	[sflag:s23] =	ssyncadd.s32 $0xFFFFC000  }
0x82: {  	s28 =	simm.s32 $0x0;
	v0 =	vld [tilespmem:$0x10280]  }
0x83: {  	v1 =	vld [tilespmem:s28+$0x8200]  }
0x84: {  	v2 =	vld [tilespmem:s28+$0x8210]  }
0x85: {  	v3 =	vld [tilespmem:s28+$0x8220]  }
0x86: {  	v4 =	vld [tilespmem:s28+$0x8230]  }
0x87: {  	v5 =	vld [tilespmem:s28+$0x8240]  }
0x88: {  	v6 =	vld [tilespmem:s28+$0x8250];
	v1 =	vmul.f32 v1, v0  }
0x89: {  	v7 =	vld [tilespmem:s28+$0x8260];
	v2 =	vmul.f32 v2, v0  }
0x8a: {  	v8 =	vld [tilespmem:s28+$0x8270];
	[tilespmem:s28+$0x8200] =	vst v1;
	v1 =	vmul.f32 v3, v0  }
0x8b: {  	v9 =	vld [tilespmem:s28+$0x8280];
	[tilespmem:s28+$0x8210] =	vst v2;
	v2 =	vmul.f32 v4, v0  }
0x8c: {  	v10 =	vld [tilespmem:s28+$0x8290];
	[tilespmem:s28+$0x8220] =	vst v1;
	v1 =	vmul.f32 v5, v0  }
0x8d: {  	v3 =	vmul.f32 v6, v0;
	[tilespmem:s28+$0x8230] =	vst v2;
	v2 =	vld [tilespmem:s28+$0x82A0]  }
0x8e: {  	v4 =	vmul.f32 v7, v0;
	[tilespmem:s28+$0x8240] =	vst v1;
	v1 =	vld [tilespmem:s28+$0x82B0]  }
0x8f: {  	[tilespmem:s28+$0x8250] =	vst v3;
	v3 =	vld [tilespmem:s28+$0x82C0];
	v5 =	vmul.f32 v8, v0  }
0x90: {  	v7 =	vmul.f32 v9, v0;
	[tilespmem:s28+$0x8260] =	vst v4;
	v4 =	vld [tilespmem:s28+$0x82D0]  }
0x91: {  	s29 =	simm.s32 $0x400;
	v6 =	vmul.f32 v10, v0;
	[tilespmem:s28+$0x8270] =	vst v5;
	v5 =	vld [tilespmem:s28+$0x82E0]  }
.LBB2_6:
0x92: {  	s30 =	sshra.s32 s29, $0x2;
	p0 =	sne.s32 s29, $0xFC00;
	[tilespmem:s28+$0x8280] =	vst v7;
	v2 =	vmul.f32 v2, v0;
	v7 =	vld [tilespmem:s28+$0x82F0]  }
0x93: {  	v8 =	vld [tilespmem:s30+$0x8200];
	[tilespmem:s28+$0x8290] =	vst v6;
	v1 =	vmul.f32 v1, v0  }
0x94: {  	v6 =	vld [tilespmem:s30+$0x8210];
	[tilespmem:s28+$0x82A0] =	vst v2;
	v2 =	vmul.f32 v3, v0  }
0x95: {  	v3 =	vld [tilespmem:s30+$0x8220];
	[tilespmem:s28+$0x82B0] =	vst v1;
	v1 =	vmul.f32 v4, v0  }
0x96: {  	v4 =	vld [tilespmem:s30+$0x8230];
	[tilespmem:s28+$0x82C0] =	vst v2;
	v2 =	vmul.f32 v5, v0  }
0x97: {  	v5 =	vld [tilespmem:s30+$0x8240];
	[tilespmem:s28+$0x82D0] =	vst v1;
	v1 =	vmul.f32 v7, v0  }
0x98: {  	v7 =	vmul.f32 v8, v0;
	v8 =	vld [tilespmem:s30+$0x8250];
	[tilespmem:s28+$0x82E0] =	vst v2  }
0x99: {  	v2 =	vmul.f32 v6, v0;
	v6 =	vld [tilespmem:s30+$0x8260];
	[tilespmem:s28+$0x82F0] =	vst v1;
	s28 =	smov.u32 s30  }
0x9a: {  	[tilespmem:s28+$0x8200] =	vst v7;
	v1 =	vmul.f32 v3, v0;
	v3 =	vld [tilespmem:s28+$0x8270]  }
0x9b: {  	[tilespmem:s28+$0x8210] =	vst v2;
	v2 =	vmul.f32 v4, v0;
	v4 =	vld [tilespmem:s28+$0x8280]  }
0x9c: {  	[tilespmem:s28+$0x8220] =	vst v1;
	v1 =	vmul.f32 v5, v0;
	v5 =	vld [tilespmem:s28+$0x8290]  }
.Ltmp2:
0x9d: {  	[tilespmem:s28+$0x8230] =	vst v2;
	v7 =	vmul.f32 v8, v0;
	v2 =	vld [tilespmem:s28+$0x82A0];
	(pc) =	sbr.rel @p0 .LBB2_6-.Ltmp2, $4  }
0x9e: {  	[tilespmem:s28+$0x8240] =	vst v1;
	v6 =	vmul.f32 v6, v0;
	v1 =	vld [tilespmem:s28+$0x82B0]  }
0x9f: {  	[tilespmem:s28+$0x8250] =	vst v7;
	v8 =	vmul.f32 v3, v0;
	v3 =	vld [tilespmem:s28+$0x82C0]  }
0xa0: {  	[tilespmem:s28+$0x8260] =	vst v6;
	v7 =	vmul.f32 v4, v0;
	v4 =	vld [tilespmem:s28+$0x82D0]  }
0xa1: {  	s29 =	sadd.s32 $0x400, s29;
	[tilespmem:s28+$0x8270] =	vst v8;
	v6 =	vmul.f32 v5, v0;
	v5 =	vld [tilespmem:s28+$0x82E0]  }
0xa2: {  	[tilespmem:s28+$0x8280] =	vst v7;
	v2 =	vmul.f32 v2, v0;
	v7 =	vld [tilespmem:s28+$0x82F0]  }
0xa3: {  	[tilespmem:s28+$0x8290] =	vst v6;
	v1 =	vmul.f32 v1, v0  }
0xa4: {  	[tilespmem:s28+$0x82A0] =	vst v2;
	v2 =	vmul.f32 v3, v0  }
0xa5: {  	[tilespmem:s28+$0x82B0] =	vst v1;
	v1 =	vmul.f32 v4, v0  }
0xa6: {  	[tilespmem:s28+$0x82C0] =	vst v2;
	v2 =	vmul.f32 v5, v0  }
0xa7: {  	[tilespmem:s28+$0x82D0] =	vst v1;
	v0 =	vmul.f32 v7, v0  }
0xa8: {  	[tilespmem:s28+$0x82E0] =	vst v2  }
0xa9: {  	[tilespmem:s28+$0x82F0] =	vst v0  }
0xaa: {  	_ =	swait.ge [sflag:s24], $0x4000  }
0xab: {  	[sflag:s24] =	ssyncset.done $0x0  }
0xac: {  	[sflag:s24] =	ssyncadd.s32 $0xFFFFC000  }
0xad: {  	s28 =	simm.s32 $0x0;
	v0 =	vld [tilespmem:$0x10280]  }
0xae: {  	v1 =	vld [tilespmem:s28+$0xC200]  }
0xaf: {  	v2 =	vld [tilespmem:s28+$0xC210]  }
0xb0: {  	v3 =	vld [tilespmem:s28+$0xC220]  }
0xb1: {  	v4 =	vld [tilespmem:s28+$0xC230]  }
0xb2: {  	v5 =	vld [tilespmem:s28+$0xC240]  }
0xb3: {  	v6 =	vld [tilespmem:s28+$0xC250];
	v1 =	vmul.f32 v1, v0  }
0xb4: {  	v7 =	vld [tilespmem:s28+$0xC260];
	v2 =	vmul.f32 v2, v0  }
0xb5: {  	v8 =	vld [tilespmem:s28+$0xC270];
	[tilespmem:s28+$0xC200] =	vst v1;
	v1 =	vmul.f32 v3, v0  }
0xb6: {  	v9 =	vld [tilespmem:s28+$0xC280];
	[tilespmem:s28+$0xC210] =	vst v2;
	v2 =	vmul.f32 v4, v0  }
0xb7: {  	v10 =	vld [tilespmem:s28+$0xC290];
	[tilespmem:s28+$0xC220] =	vst v1;
	v1 =	vmul.f32 v5, v0  }
0xb8: {  	v3 =	vmul.f32 v6, v0;
	[tilespmem:s28+$0xC230] =	vst v2;
	v2 =	vld [tilespmem:s28+$0xC2A0]  }
0xb9: {  	v4 =	vmul.f32 v7, v0;
	[tilespmem:s28+$0xC240] =	vst v1;
	v1 =	vld [tilespmem:s28+$0xC2B0]  }
0xba: {  	[tilespmem:s28+$0xC250] =	vst v3;
	v3 =	vld [tilespmem:s28+$0xC2C0];
	v5 =	vmul.f32 v8, v0  }
0xbb: {  	v7 =	vmul.f32 v9, v0;
	[tilespmem:s28+$0xC260] =	vst v4;
	v4 =	vld [tilespmem:s28+$0xC2D0]  }
0xbc: {  	s29 =	simm.s32 $0x400;
	v6 =	vmul.f32 v10, v0;
	[tilespmem:s28+$0xC270] =	vst v5;
	v5 =	vld [tilespmem:s28+$0xC2E0]  }
.LBB2_8:
0xbd: {  	s30 =	sshra.s32 s29, $0x2;
	p0 =	sne.s32 s29, $0xFC00;
	[tilespmem:s28+$0xC280] =	vst v7;
	v2 =	vmul.f32 v2, v0;
	v7 =	vld [tilespmem:s28+$0xC2F0]  }
0xbe: {  	v8 =	vld [tilespmem:s30+$0xC200];
	[tilespmem:s28+$0xC290] =	vst v6;
	v1 =	vmul.f32 v1, v0  }
0xbf: {  	v6 =	vld [tilespmem:s30+$0xC210];
	[tilespmem:s28+$0xC2A0] =	vst v2;
	v2 =	vmul.f32 v3, v0  }
0xc0: {  	v3 =	vld [tilespmem:s30+$0xC220];
	[tilespmem:s28+$0xC2B0] =	vst v1;
	v1 =	vmul.f32 v4, v0  }
0xc1: {  	v4 =	vld [tilespmem:s30+$0xC230];
	[tilespmem:s28+$0xC2C0] =	vst v2;
	v2 =	vmul.f32 v5, v0  }
0xc2: {  	v5 =	vld [tilespmem:s30+$0xC240];
	[tilespmem:s28+$0xC2D0] =	vst v1;
	v1 =	vmul.f32 v7, v0  }
0xc3: {  	v7 =	vmul.f32 v8, v0;
	v8 =	vld [tilespmem:s30+$0xC250];
	[tilespmem:s28+$0xC2E0] =	vst v2  }
0xc4: {  	v2 =	vmul.f32 v6, v0;
	v6 =	vld [tilespmem:s30+$0xC260];
	[tilespmem:s28+$0xC2F0] =	vst v1;
	s28 =	smov.u32 s30  }
0xc5: {  	[tilespmem:s28+$0xC200] =	vst v7;
	v1 =	vmul.f32 v3, v0;
	v3 =	vld [tilespmem:s28+$0xC270]  }
0xc6: {  	[tilespmem:s28+$0xC210] =	vst v2;
	v2 =	vmul.f32 v4, v0;
	v4 =	vld [tilespmem:s28+$0xC280]  }
0xc7: {  	[tilespmem:s28+$0xC220] =	vst v1;
	v1 =	vmul.f32 v5, v0;
	v5 =	vld [tilespmem:s28+$0xC290]  }
.Ltmp3:
0xc8: {  	[tilespmem:s28+$0xC230] =	vst v2;
	v7 =	vmul.f32 v8, v0;
	v2 =	vld [tilespmem:s28+$0xC2A0];
	(pc) =	sbr.rel @p0 .LBB2_8-.Ltmp3, $4  }
0xc9: {  	[tilespmem:s28+$0xC240] =	vst v1;
	v6 =	vmul.f32 v6, v0;
	v1 =	vld [tilespmem:s28+$0xC2B0]  }
0xca: {  	[tilespmem:s28+$0xC250] =	vst v7;
	v8 =	vmul.f32 v3, v0;
	v3 =	vld [tilespmem:s28+$0xC2C0]  }
0xcb: {  	[tilespmem:s28+$0xC260] =	vst v6;
	v7 =	vmul.f32 v4, v0;
	v4 =	vld [tilespmem:s28+$0xC2D0]  }
0xcc: {  	s29 =	sadd.s32 $0x400, s29;
	[tilespmem:s28+$0xC270] =	vst v8;
	v6 =	vmul.f32 v5, v0;
	v5 =	vld [tilespmem:s28+$0xC2E0]  }
0xcd: {  	[tilespmem:s28+$0xC280] =	vst v7;
	v2 =	vmul.f32 v2, v0;
	v59 =	vld [tilespmem:s28+$0xC2F0]  }
0xce: {  	[tilespmem:s28+$0xC290] =	vst v6;
	v1 =	vmul.f32 v1, v0  }
0xcf: {  	[tilespmem:s28+$0xC2A0] =	vst v2;
	v60 =	vmul.f32 v3, v0  }
0xd0: {  	[tilespmem:s28+$0xC2B0] =	vst v1;
	v61 =	vmul.f32 v4, v0  }
0xd1: {  	[tilespmem:s28+$0xC2C0] =	vst v60;
	v62 =	vmul.f32 v5, v0  }
0xd2: {  	[tilespmem:s28+$0xC2D0] =	vst v61;
	v63 =	vmul.f32 v59, v0  }
0xd3: {  	[tilespmem:s28+$0xC2E0] =	vst v62  }
0xd4: {  	s26 =	sadd.s32 $0x1, s26;
	[tilespmem:s28+$0xC2F0] =	vst v63  }
0xd5: {  	[hbm4b:s8+s3] =	stream.linear.scatter [tilespmem:s17], [sflag:$0x5], $0x8000, $0x38;
	[tilespmem:$0x10300] =	vst v63  }
0xd6: {  	p0 =	sne.s32 s26, s9;
	_ =	swait.ge [sflag:s25], $0x8000  }
.Ltmp4:
0xd7: {  	[sflag:s25] =	ssyncset.done $0x0;
	(pc) =	sbr.rel @p0 .LBB2_1-.Ltmp4, $4  }
0xd8: {  	[sflag:s25] =	ssyncadd.s32 $0xFFFF8000  }
0xd9: {  	_ =	swait.ge [sflag:s25], $0x8000  }
0xda: {  	[sflag:s25] =	ssyncset.done $0x0  }
0xdb: {  	[sflag:s25] =	ssyncadd.s32 $0xFFFF8000  }
0xdc: {  	_ =	sfence.sel $0x180000  }
0xdd: {  	[bflag:$0x0] =	sbarrier.arrive $0xFFFF  }
0xde: {  	p0 =	sne.s32 s0, $0x0;
	_ =	strace $0x90000047  }
0xdf: {  	s0 =	sadd.s32 @!p0 $0x100000, s2;
	[bflag:$0x2] =	sbarrier.arrive $0xFFFF  }
0xe0: {  	[sflag:s0] =	ssyncadd.tile.s32 @!p0 $0x1;
	_ =	shalt  }
.Lfunc_end2:
_tile_overlayer_lowered:
.L_overlay_start_2:
0xe1: {  	(tag) =	ssettag $0x2  }
0xe2: {  	s0 =	rddreg [dreg:$0x0];
	s2 =	stileid.u32  }
0xe3: {  	s1 =	rddreg [dreg:$0x1];
	p0 =	sne.s32 s2, $0x0  }
0xe4: {  	s3 =	rddreg [dreg:$0x2];
	[bflag:$0x3] =	sbarrier.arrive $0xFFFF;
	s2 =	simm.s32 @!p0 $0x1C09  }
0xe5: {  	[timem:s3], [sflag:s2] =	dma.local @!p0 [hbm:s0], s1  }
0xe6: {  	s0 =	simm.s32 @!p0 $0x9  }
0xe7: {  	_ =	swait.ge @!p0 [sflag:s0], s1  }
0xe8: {  	s1 =	ssub.s32 @!p0 $0x0, s1;
	[sflag:s0] =	ssyncset.done @!p0 $0x0  }
0xe9: {  	[sflag:s0] =	ssyncadd.s32 @!p0 s1  }
0xea: {  	[bflag:$0x3] =	sbarrier.arrive $0xFFFF  }
0xeb: {  	_ =	shalt  }

</sc_bundles>
